<compile_context>
chip_gen: v7x
topology: tpu7x:2x2x1
jax: 0.10.2.dev20260603
libtpu: 0.0.44.dev20260713+nightly
codegen_flags: <defaults>
</compile_context>

<pallas_src>
import functools

import jax
import jax.numpy as jnp
from jax import lax
from jax.experimental import pallas as pl
from jax.experimental.pallas import tpu as pltpu
from jax.experimental.pallas import tpu_sc as plsc

N = 10000
E = 320000
NUM_SEG = 10000
D = 128
NUM_GRAPHS = 8
EPS_BN = 1e-5

NC = 2
NS = 16
NW = NC * NS
E_PER_W = E // NW
CHUNK = 40
PASSES = 2
E_PER_P = E_PER_W // PASSES
NCHUNK_P = E_PER_P // CHUNK
NCP_PAD = 128
IG = 128
GSTAGE = 5000
NBUF = 4
SEG_PAD = 10240
ROWS_PER_TILE = SEG_PAD // NS
ZROWS = 40
CPT = SEG_PAD // NS


def _sc_degrees_body(nidx_hbm, hidx_hbm, out_hbm,
                     locn, loch, ibufn, ibufh):
    c = lax.axis_index("c")
    s = lax.axis_index("s")
    wid = c * NS + s
    base = pl.multiple_of(wid * E_PER_W, 8)

    zero16 = jnp.zeros((16,), jnp.float32)
    one16 = jnp.ones((16,), jnp.float32)

    def zz(i, _):
        locn[pl.ds(i * 16, 16)] = zero16
        loch[pl.ds(i * 16, 16)] = zero16
        return 0
    lax.fori_loop(0, SEG_PAD // 16, zz, 0)

    pltpu.sync_copy(nidx_hbm.at[pl.ds(base, E_PER_W)], ibufn)
    pltpu.sync_copy(hidx_hbm.at[pl.ds(base, E_PER_W)], ibufh)

    def cnt(k, _):
        plsc.addupdate_scatter(locn, [ibufn[pl.ds(k * 16, 16)]], one16)
        plsc.addupdate_scatter(loch, [ibufh[pl.ds(k * 16, 16)]], one16)
        return 0
    lax.fori_loop(0, E_PER_W // 16, cnt, 0)

    pltpu.sync_copy(locn, out_hbm.at[wid, 0])
    pltpu.sync_copy(loch, out_hbm.at[wid, 1])


def _sc_degrees(nidx, hidx):
    mesh = plsc.VectorSubcoreMesh(core_axis_name="c", subcore_axis_name="s")
    kern = functools.partial(
        pl.kernel,
        mesh=mesh,
        compiler_params=pltpu.CompilerParams(needs_layout_passes=False),
        out_type=jax.ShapeDtypeStruct((NW, 2, SEG_PAD), jnp.float32),
        scratch_types=[
            pltpu.VMEM((SEG_PAD,), jnp.float32),
            pltpu.VMEM((SEG_PAD,), jnp.float32),
            pltpu.VMEM((E_PER_W,), jnp.int32),
            pltpu.VMEM((E_PER_W,), jnp.int32),
        ],
    )(_sc_degrees_body)
    return kern(nidx, hidx)


def _sc_propagate_body(table, gidx_hbm, sidx_hbm, out_hbm,
                       acc, gbuf, sbuf, rows, zbuf, semg, semz):
    c = lax.axis_index("c")
    s = lax.axis_index("s")
    wid = c * NS + s

    zero16 = jnp.zeros((16,), jnp.float32)

    def zrow(i, _):
        r = i // (D // 16)
        k = i % (D // 16)
        zbuf[r, pl.ds(k * 16, 16)] = zero16
        return 0
    lax.fori_loop(0, ZROWS * (D // 16), zrow, 0)

    def zcp(q, _):
        ro = pl.multiple_of(s * ROWS_PER_TILE + q * ZROWS, 8)
        pltpu.async_copy(zbuf, acc.at[pl.ds(ro, ZROWS)], semz)
        return 0
    lax.fori_loop(0, ROWS_PER_TILE // ZROWS, zcp, 0)

    def run_pass(p, _):
        def gcp(g, _):
            ro = pl.multiple_of(g * GSTAGE, 8)
            src = pl.multiple_of(wid * E_PER_W + p * E_PER_P + ro, 8)
            pltpu.sync_copy(gidx_hbm.at[pl.ds(src, GSTAGE)],
                            gbuf.at[pl.ds(ro, GSTAGE)])
            return 0
        lax.fori_loop(0, E_PER_P // GSTAGE, gcp, 0)

        def scp(g, _):
            ro = pl.multiple_of(g * IG, 8)
            pltpu.sync_copy(sidx_hbm.at[wid, p, pl.ds(ro, IG)],
                            sbuf.at[pl.ds(ro, IG)])
            return 0
        lax.fori_loop(0, NCP_PAD // IG, scp, 0)

        @pl.when(p == 0)
        def _():
            def zw(q, _):
                ro = pl.multiple_of(s * ROWS_PER_TILE + q * ZROWS, 8)
                pltpu.make_async_copy(zbuf, acc.at[pl.ds(ro, ZROWS)],
                                      semz).wait()
                return 0
            lax.fori_loop(0, ROWS_PER_TILE // ZROWS, zw, 0)
            plsc.subcore_barrier()

        def rslice(j):
            off = pl.multiple_of((j % NBUF) * CHUNK, 8)
            return rows.at[pl.ds(off, CHUNK)]

        def gslice(j):
            off = pl.multiple_of(j * CHUNK, 8)
            return gbuf.at[pl.ds(off, CHUNK)]

        def step(t, _):
            @pl.when(t < NCHUNK_P)
            def _():
                pltpu.async_copy(table.at[gslice(t)], rslice(t), semg)

            @pl.when(t >= NBUF - 1)
            def _():
                j = t - (NBUF - 1)
                pltpu.make_async_copy(table.at[gslice(j)], rslice(j),
                                      semg).wait()
                pltpu.sync_copy(rslice(j), acc.at[sbuf.at[j]], add=True)
            return 0
        lax.fori_loop(0, NCHUNK_P + NBUF - 1, step, 0)
        return 0

    lax.fori_loop(0, PASSES, run_pass, 0)
    plsc.subcore_barrier()

    ro = pl.multiple_of(s * ROWS_PER_TILE, 8)
    pltpu.sync_copy(acc.at[pl.ds(ro, ROWS_PER_TILE)],
                    out_hbm.at[c, pl.ds(ro, ROWS_PER_TILE)])


def _sc_propagate(table, gidx, sidx):
    mesh = plsc.VectorSubcoreMesh(core_axis_name="c", subcore_axis_name="s")
    kern = functools.partial(
        pl.kernel,
        mesh=mesh,
        compiler_params=pltpu.CompilerParams(needs_layout_passes=False),
        out_type=jax.ShapeDtypeStruct((NC, SEG_PAD, D), jnp.float32),
        scratch_types=[
            pltpu.VMEM_SHARED((SEG_PAD, D), jnp.float32),
            pltpu.VMEM((E_PER_P,), jnp.int32),
            pltpu.VMEM((NCP_PAD, CHUNK), jnp.int32),
            pltpu.VMEM((NBUF * CHUNK, D), jnp.float32),
            pltpu.VMEM((ZROWS, D), jnp.float32),
            pltpu.SemaphoreType.DMA,
            pltpu.SemaphoreType.DMA,
        ],
    )(_sc_propagate_body)
    sidx_p = jnp.pad(sidx.reshape(NW, PASSES, NCHUNK_P, CHUNK),
                     ((0, 0), (0, 0), (0, NCP_PAD - NCHUNK_P), (0, 0)))
    return kern(table, gidx, sidx_p)


def _stage1_body(x, W1, b1s, Wc, out):
    h = jnp.dot(x[...], W1[...], preferred_element_type=jnp.float32)
    h = jax.nn.relu(h + b1s[...])
    out[...] = jnp.dot(h, Wc[...], preferred_element_type=jnp.float32)


def _stage1(x, W1, b1s, Wc):
    blk = 2000
    return pl.pallas_call(
        _stage1_body,
        grid=(N // blk,),
        in_specs=[
            pl.BlockSpec((blk, D), lambda i: (i, 0)),
            pl.BlockSpec((D, D), lambda i: (0, 0)),
            pl.BlockSpec((1, D), lambda i: (0, 0)),
            pl.BlockSpec((D, D), lambda i: (0, 0)),
        ],
        out_specs=pl.BlockSpec((blk, D), lambda i: (i, 0)),
        out_shape=jax.ShapeDtypeStruct((N, D), jnp.float32),
    )(x, W1, b1s, Wc)


def _stage2_body(p, cnts, out):
    s = p[0] + p[1]
    cnt = jnp.sum(cnts[:, 1, :], axis=0).reshape(-1, 1)
    inv = jnp.where(cnt > 0, 1.0 / cnt, 0.0)
    out[...] = s * inv


def _stage2(partials, counts):
    blk = 2048
    return pl.pallas_call(
        _stage2_body,
        grid=(SEG_PAD // blk,),
        in_specs=[
            pl.BlockSpec((NC, blk, D), lambda i: (0, i, 0)),
            pl.BlockSpec((NW, 2, blk), lambda i: (0, 0, i)),
        ],
        out_specs=pl.BlockSpec((blk, D), lambda i: (i, 0)),
        out_shape=jax.ShapeDtypeStruct((SEG_PAD, D), jnp.float32),
    )(partials, counts)


def _stage3_body(p, cnts, batch, bc, Wout, bout, Wg1, bg1, Wg2, bg2, out):
    s = p[0, :N, :] + p[1, :N, :]
    cnt = jnp.sum(cnts[:, 0, :N], axis=0).reshape(N, 1)
    inv = jnp.where(cnt > 0, 1.0 / cnt, 0.0)
    h = s * inv + bc[...]
    o = jnp.dot(h, Wout[...], preferred_element_type=jnp.float32) + bout[...]
    g1 = jnp.tanh(
        jnp.dot(o, Wg1[...], preferred_element_type=jnp.float32) + bg1[...])
    gate = jnp.dot(g1, Wg2[...], preferred_element_type=jnp.float32) + bg2[...]
    b = batch[...]
    gid = lax.broadcasted_iota(jnp.int32, (1, NUM_GRAPHS), 1)
    mask = b == gid
    maskf = mask.astype(jnp.float32)
    gmax = jnp.max(jnp.where(mask, gate, -1e30), axis=0, keepdims=True)
    grow = jnp.sum(maskf * gmax, axis=1, keepdims=True)
    e = jnp.exp(gate - grow)
    denom = jnp.sum(maskf * e, axis=0, keepdims=True)
    drow = jnp.sum(maskf * denom, axis=1, keepdims=True)
    alpha = e / (drow + 1e-16)
    w = maskf * alpha
    out[...] = lax.dot_general(
        w, o, dimension_numbers=(((0,), (0,)), ((), ())),
        preferred_element_type=jnp.float32)


def _stage3(partials, counts, batch2d, bc, Wout, bout, Wg1, bg1, Wg2, bg2):
    return pl.pallas_call(
        _stage3_body,
        out_shape=jax.ShapeDtypeStruct((NUM_GRAPHS, D), jnp.float32),
    )(partials, counts, batch2d, bc, Wout, bout, Wg1, bg1, Wg2, bg2)


def kernel(x, edge_index, batch, W1, b1, gamma1, beta1, Wc, bc, Wout, bout,
           Wg1, bg1, Wg2, bg2):
    node_idx = edge_index[0]
    he_idx = edge_index[1]
    g = gamma1 / jnp.sqrt(1.0 + EPS_BN)
    W1f = W1 * g[None, :]
    b1f = (b1 * g + beta1).reshape(1, D)

    counts = _sc_degrees(node_idx, he_idx)
    h2 = _stage1(x, W1f, b1f, Wc)
    p1 = _sc_propagate(h2, node_idx, he_idx)
    ef = _stage2(p1, counts)
    p2 = _sc_propagate(ef, he_idx, node_idx)
    return _stage3(p2, counts, batch.reshape(N, 1), bc.reshape(1, D),
                   Wout, bout.reshape(1, D), Wg1, bg1.reshape(1, D // 2),
                   Wg2, bg2.reshape(1, 1))

# --- scband reference (transcript-rebuilt; emitter-appended) ---
"""Pipeline reference for scband-hypergraph-network-6648609374691 (READ-ONLY COPY).

The authoritative reference and input builder live on the scoring server;
editing this copy changes nothing except your own understanding.
"""

import jax, jax.numpy as jnp
import numpy as np

N = 10000
E = 320000
NUM_HE = 10000
D_IN = 128
H0 = 128
H1 = 128
D_OUT = 128
NUM_GRAPHS = 8
EPS_BN = 1e-5


def _lin_init(key, fan_in, shape):
    s = 1.0 / np.sqrt(fan_in)
    return jax.random.uniform(key, shape, jnp.float32, -s, s)


def setup_inputs(seed: int = 0):
    key = jax.random.key(seed)
    ks = jax.random.split(key, 16)
    x = jax.random.normal(ks[0], (N, D_IN), dtype=jnp.float32)
    edge_index = jax.random.randint(ks[1], (2, E), 0, N, dtype=jnp.int32)
    batch = jnp.sort(jax.random.randint(ks[2], (N,), 0, NUM_GRAPHS, dtype=jnp.int32))
    W1 = _lin_init(ks[3], D_IN, (D_IN, H0))
    b1 = _lin_init(ks[4], D_IN, (H0,))
    gamma1 = jnp.ones((H0,), jnp.float32)
    beta1 = jnp.zeros((H0,), jnp.float32)
    Wc = _lin_init(ks[5], H0, (H0, H1))  # HypergraphConv lin (bias=False)
    bc = jnp.zeros((H1,), jnp.float32)   # HypergraphConv bias param
    Wout = _lin_init(ks[6], H1, (H1, D_OUT))
    bout = _lin_init(ks[7], H1, (D_OUT,))
    Wg1 = _lin_init(ks[8], D_OUT, (D_OUT, H1 // 2))
    bg1 = _lin_init(ks[9], D_OUT, (H1 // 2,))
    Wg2 = _lin_init(ks[10], H1 // 2, (H1 // 2, 1))
    bg2 = _lin_init(ks[11], H1 // 2, (1,))
    return dict(x=x, edge_index=edge_index, batch=batch, W1=W1, b1=b1,
                gamma1=gamma1, beta1=beta1, Wc=Wc, bc=bc, Wout=Wout, bout=bout,
                Wg1=Wg1, bg1=bg1, Wg2=Wg2, bg2=bg2)


def reference(x, edge_index, batch, W1, b1, gamma1, beta1, Wc, bc, Wout, bout, Wg1, bg1, Wg2, bg2):
    # first_h: Linear -> BatchNorm1d (eval mode, running stats 0/1) -> ReLU
    h = x @ W1 + b1
    h = (h / jnp.sqrt(1.0 + EPS_BN)) * gamma1 + beta1
    h = jax.nn.relu(h)
    # dropout is identity in inference
    # HypergraphConv (use_attention=False, heads=1): out = D^-1 H B^-1 H^T (X W) + bias
    node_idx = edge_index[0]
    he_idx = edge_index[1]
    h = h @ Wc
    ones = jnp.ones((E,), jnp.float32)
    Dd = jax.ops.segment_sum(ones, node_idx, num_segments=N)
    Dinv = jnp.where(Dd > 0, 1.0 / Dd, 0.0)
    Bd = jax.ops.segment_sum(ones, he_idx, num_segments=NUM_HE)
    Binv = jnp.where(Bd > 0, 1.0 / Bd, 0.0)
    # node -> hyperedge propagate: message = B_inv[e] * x[v]
    m = Binv[he_idx][:, None] * h[node_idx]
    ef = jax.ops.segment_sum(m, he_idx, num_segments=NUM_HE)
    # hyperedge -> node propagate: message = D_inv[v] * ef[e]
    m2 = Dinv[node_idx][:, None] * ef[he_idx]
    h = jax.ops.segment_sum(m2, node_idx, num_segments=N) + bc
    # output layer
    out = h @ Wout + bout
    # GlobalAttention pooling: gate = gate_nn(out); softmax over batch segments; weighted sum
    gate = jnp.tanh(out @ Wg1 + bg1) @ Wg2 + bg2
    gate = gate[:, 0]
    gmax = jax.ops.segment_max(gate, batch, num_segments=NUM_GRAPHS)
    e = jnp.exp(gate - gmax[batch])
    denom = jax.ops.segment_sum(e, batch, num_segments=NUM_GRAPHS)
    alpha = e / (denom[batch] + 1e-16)
    graph_token = jax.ops.segment_sum(alpha[:, None] * out, batch, num_segments=NUM_GRAPHS)
    return graph_token

if __name__ == "__main__":
    import jax
    _d = setup_inputs()
    print(jax.jit(kernel)(*tuple(_d.values())))

</pallas_src>

<mosaic_0001>
#map = affine_map<(d0, d1) -> (0, 0)>
#map1 = affine_map<(d0, d1) -> (0)>
#map2 = affine_map<(d0, d1) -> (0, 0, 0, 0)>
#map3 = affine_map<(d0, d1) -> (0, 0, 0)>
module attributes {stable_mosaic.version = 14 : i64} {
  func.func @_sc_propagate_body(%arg0: i32, %arg1: i32, %arg2: memref<10000x128xf32, #tpu.memory_space<hbm>>, %arg3: memref<320000xi32, #tpu.memory_space<hbm>>, %arg4: memref<32x2x128x40xi32, #tpu.memory_space<hbm>>, %arg5: memref<2x10240x128xf32, #tpu.memory_space<hbm>>, %arg6: memref<10240x128xf32, #tpu.memory_space<vmem_shared>>, %arg7: memref<5000xi32, #tpu.memory_space<vmem>>, %arg8: memref<128x40xi32, #tpu.memory_space<vmem>>, %arg9: memref<160x128xf32, #tpu.memory_space<vmem>>, %arg10: memref<40x128xf32, #tpu.memory_space<vmem>>, %arg11: memref<!tpu.dma_semaphore, #tpu.memory_space<semaphore_mem>>, %arg12: memref<!tpu.dma_semaphore, #tpu.memory_space<semaphore_mem>>) attributes {dimension_semantics = [#tpu.dimension_semantics<core_parallel>, #tpu.dimension_semantics<subcore_parallel>], iteration_bounds = array<i64: 2, 16>, scalar_prefetch = 0 : i64, scratch_operands = 7 : i64, tpu.core_type = #tpu.core_type<sc_vector_subcore>, window_params = [{transform_indices = #map}, {transform_indices = #map1}, {transform_indices = #map2}, {transform_indices = #map3}]} {
    %mul3A = arith.constant 16 : i32
    %mul3A_0 = arith.muli %arg0, %mul3A : i32
    %add3A = arith.addi %mul3A_0, %arg1 : i32
    %broadcast_in_dim3A = arith.constant 0.000000e+00 : f32
    %broadcast_in_dim3A_1 = vector.broadcast %broadcast_in_dim3A : f32 to vector<16xf32>
    %scan3A = arith.constant 0 : i32
    %scan3A_2 = arith.constant 0 : i32
    %scan3A_3 = arith.constant 320 : i32
    %scan3A_4 = arith.addi %scan3A_2, %scan3A_3 : i32
    %scan3A_5 = arith.constant 1 : i32
    %scan3A_6 = scf.for %scan3A_24 = %scan3A_2 to %scan3A_4 step %scan3A_5 iter_args(%scan3A_25 = %scan3A) -> (i32)  : i32 {
      %jit3A = arith.constant 8 : i32
      %div3A = arith.divsi %scan3A_24, %jit3A : i32
      %sign3A = arith.constant 0 : i32
      %sign3A_26 = arith.cmpi sgt, %scan3A_24, %sign3A : i32
      %sign3A_27 = arith.extui %sign3A_26 : i1 to i32
      %sign3A_28 = arith.constant 0 : i32
      %sign3A_29 = arith.cmpi slt, %scan3A_24, %sign3A_28 : i32
      %sign3A_30 = arith.extui %sign3A_29 : i1 to i32
      %sign3A_31 = arith.subi %sign3A_27, %sign3A_30 : i32
      %sign3A_32 = arith.constant 0 : i32
      %sign3A_33 = arith.cmpi sgt, %jit3A, %sign3A_32 : i32
      %sign3A_34 = arith.extui %sign3A_33 : i1 to i32
      %sign3A_35 = arith.constant 0 : i32
      %sign3A_36 = arith.cmpi slt, %jit3A, %sign3A_35 : i32
      %sign3A_37 = arith.extui %sign3A_36 : i1 to i32
      %sign3A_38 = arith.subi %sign3A_34, %sign3A_37 : i32
      %ne3A = arith.cmpi ne, %sign3A_31, %sign3A_38 : i32
      %rem3A = arith.remsi %scan3A_24, %jit3A : i32
      %ne3A_39 = arith.constant 0 : i32
      %ne3A_40 = arith.cmpi ne, %rem3A, %ne3A_39 : i32
      %and3A = arith.andi %ne3A, %ne3A_40 : i1
      %sub3A = arith.constant 1 : i32
      %sub3A_41 = arith.subi %div3A, %sub3A : i32
      %select_n3A = arith.select %and3A, %sub3A_41, %div3A : i32
      %jit3A_42 = arith.constant 8 : i32
      %eq3A = arith.constant 0 : i32
      %eq3A_43 = arith.cmpi eq, %jit3A_42, %eq3A : i32
      %jit3A_44 = arith.constant 1 : i32
      %select_n3A_45 = arith.select %eq3A_43, %jit3A_44, %jit3A_42 : i32
      %rem3A_46 = arith.remsi %scan3A_24, %select_n3A_45 : i32
      %ne3A_47 = arith.constant 0 : i32
      %ne3A_48 = arith.cmpi ne, %rem3A_46, %ne3A_47 : i32
      %lt3A = arith.constant 0 : i32
      %lt3A_49 = arith.cmpi slt, %rem3A_46, %lt3A : i32
      %lt3A_50 = arith.constant 0 : i32
      %lt3A_51 = arith.cmpi slt, %select_n3A_45, %lt3A_50 : i32
      %ne3A_52 = arith.xori %lt3A_49, %lt3A_51 : i1
      %and3A_53 = arith.andi %ne3A_52, %ne3A_48 : i1
      %add3A_54 = arith.addi %rem3A_46, %select_n3A_45 : i32
      %select_n3A_55 = arith.select %and3A_53, %add3A_54, %rem3A_46 : i32
      %mul3A_56 = arith.constant 16 : i32
      %mul3A_57 = arith.muli %select_n3A_55, %mul3A_56 : i32
      %swap3A = arith.index_cast %select_n3A : i32 to index
      %swap3A_58 = arith.index_cast %mul3A_57 : i32 to index
      %swap3A_59 = tpu.vector_load %arg10[%swap3A, %swap3A_58] {strides = array<i32>} : memref<40x128xf32, #tpu.memory_space<vmem>>, vector<16xf32>,
      tpu.vector_store %arg10[%swap3A, %swap3A_58], %broadcast_in_dim3A_1 {strides = array<i32>} : memref<40x128xf32, #tpu.memory_space<vmem>>, vector<16xf32>,
      %scan3A_60 = arith.constant 0 : i32
      scf.yield %scan3A_60 : i32
    }
    %scan3A_7 = arith.constant 320 : i32
    %scan3A_8 = arith.constant 0 : i32
    %scan3A_9 = arith.constant 0 : i32
    %scan3A_10 = arith.constant 16 : i32
    %scan3A_11 = arith.addi %scan3A_9, %scan3A_10 : i32
    %scan3A_12 = arith.constant 1 : i32
    %scan3A_13 = scf.for %scan3A_24 = %scan3A_9 to %scan3A_11 step %scan3A_12 iter_args(%scan3A_25 = %scan3A_8) -> (i32)  : i32 {
      %mul3A_26 = arith.constant 640 : i32
      %mul3A_27 = arith.muli %arg1, %mul3A_26 : i32
      %mul3A_28 = arith.constant 40 : i32
      %mul3A_29 = arith.muli %scan3A_24, %mul3A_28 : i32
      %add3A_30 = arith.addi %mul3A_27, %mul3A_29 : i32
      %multiple_of3A_31 = tpu.assume_multiple %add3A_30, 8 : i32
      %dma_start3A = arith.constant 0 : i32
      %dma_start3A_32 = tpu.memref_slice %arg6[%multiple_of3A_31, %dma_start3A] : memref<10240x128xf32, #tpu.memory_space<vmem_shared>> -> memref<40x128xf32, #tpu.memory_space<vmem_shared>>
      %dma_start3A_33 = arith.constant 0 : i32
      %dma_start3A_34 = tpu.memref_slice %arg6[%multiple_of3A_31, %dma_start3A_33] : memref<10240x128xf32, #tpu.memory_space<vmem_shared>> -> memref<40x128xf32, #tpu.memory_space<vmem_shared>>
      tpu.enqueue_dma source(%arg10 : memref<40x128xf32, #tpu.memory_space<vmem>>) target(%dma_start3A_34 : memref<40x128xf32, #tpu.memory_space<vmem_shared>>) target_semaphore(%arg12 : memref<!tpu.dma_semaphore, #tpu.memory_space<semaphore_mem>>)
      %scan3A_35 = arith.constant 0 : i32
      scf.yield %scan3A_35 : i32
    }
    %scan3A_14 = arith.constant 16 : i32
    %scan3A_15 = arith.constant 0 : i32
    %scan3A_16 = arith.constant 0 : i32
    %scan3A_17 = arith.constant 2 : i32
    %scan3A_18 = arith.addi %scan3A_16, %scan3A_17 : i32
    %scan3A_19 = arith.constant 1 : i32
    %scan3A_20 = scf.for %scan3A_24 = %scan3A_16 to %scan3A_18 step %scan3A_19 iter_args(%scan3A_25 = %scan3A_15) -> (i32)  : i32 {
      %scan3A_26 = arith.constant 0 : i32
      %scan3A_27 = arith.constant 0 : i32
      %mul3A_28 = arith.constant 5000 : i32
      %mul3A_29 = arith.muli %scan3A_27, %mul3A_28 : i32
      %multiple_of3A_30 = tpu.assume_multiple %mul3A_29, 8 : i32
      %mul3A_31 = arith.constant 10000 : i32
      %mul3A_32 = arith.muli %add3A, %mul3A_31 : i32
      %mul3A_33 = arith.constant 5000 : i32
      %mul3A_34 = arith.muli %scan3A_24, %mul3A_33 : i32
      %add3A_35 = arith.addi %mul3A_32, %mul3A_34 : i32
      %add3A_36 = arith.addi %add3A_35, %multiple_of3A_30 : i32
      %multiple_of3A_37 = tpu.assume_multiple %add3A_36, 8 : i32
      "tpu.region"() ({
        %run_scoped3A = tpu.sem_alloc : memref<!tpu.dma_semaphore, #tpu.memory_space<semaphore_mem>>
        %dma_start3A = tpu.memref_slice %arg7[%multiple_of3A_30] : memref<5000xi32, #tpu.memory_space<vmem>> -> memref<5000xi32, #tpu.memory_space<vmem>>
        %dma_start3A_57 = tpu.memref_slice %arg3[%multiple_of3A_37] : memref<320000xi32, #tpu.memory_space<hbm>> -> memref<5000xi32, #tpu.memory_space<hbm>>
        %dma_start3A_58 = tpu.memref_slice %arg7[%multiple_of3A_30] : memref<5000xi32, #tpu.memory_space<vmem>> -> memref<5000xi32, #tpu.memory_space<vmem>>
        %dma_start3A_59 = tpu.memref_slice %arg3[%multiple_of3A_37] : memref<320000xi32, #tpu.memory_space<hbm>> -> memref<5000xi32, #tpu.memory_space<hbm>>
        tpu.enqueue_dma source(%dma_start3A_59 : memref<5000xi32, #tpu.memory_space<hbm>>) target(%dma_start3A_58 : memref<5000xi32, #tpu.memory_space<vmem>>) target_semaphore(%run_scoped3A : memref<!tpu.dma_semaphore, #tpu.memory_space<semaphore_mem>>)
        %dma_wait3A = tpu.memref_slice %arg7[%multiple_of3A_30] : memref<5000xi32, #tpu.memory_space<vmem>> -> memref<5000xi32, #tpu.memory_space<vmem>>
        %dma_wait3A_60 = tpu.memref_slice %arg3[%multiple_of3A_37] : memref<320000xi32, #tpu.memory_space<hbm>> -> memref<5000xi32, #tpu.memory_space<hbm>>
        %dma_wait3A_61 = tpu.memref_slice %arg7[%multiple_of3A_30] : memref<5000xi32, #tpu.memory_space<vmem>> -> memref<5000xi32, #tpu.memory_space<vmem>>
        %dma_wait3A_62 = tpu.memref_slice %arg3[%multiple_of3A_37] : memref<320000xi32, #tpu.memory_space<hbm>> -> memref<5000xi32, #tpu.memory_space<hbm>>
        tpu.wait_dma2 semaphore(%run_scoped3A : memref<!tpu.dma_semaphore, #tpu.memory_space<semaphore_mem>>) src(%dma_wait3A_62 : memref<5000xi32, #tpu.memory_space<hbm>>) dst(%dma_wait3A_61 : memref<5000xi32, #tpu.memory_space<vmem>>)
        tpu.yield
      }) : () -> ()
      %scan3A_38 = arith.constant 0 : i32
      %scan3A_39 = arith.constant 1 : i32
      %scan3A_40 = arith.constant 0 : i32
      %scan3A_41 = arith.constant 0 : i32
      %mul3A_42 = arith.constant 128 : i32
      %mul3A_43 = arith.muli %scan3A_41, %mul3A_42 : i32
      %multiple_of3A_44 = tpu.assume_multiple %mul3A_43, 8 : i32
      "tpu.region"() ({
        %run_scoped3A = tpu.sem_alloc : memref<!tpu.dma_semaphore, #tpu.memory_space<semaphore_mem>>
        %dma_start3A = arith.constant 0 : i32
        %dma_start3A_57 = tpu.memref_slice %arg8[%multiple_of3A_44, %dma_start3A] : memref<128x40xi32, #tpu.memory_space<vmem>> -> memref<128x40xi32, #tpu.memory_space<vmem>>
        %dma_start3A_58 = arith.constant 0 : i32
        %dma_start3A_59 = tpu.memref_slice %arg4[%add3A, %scan3A_24, %multiple_of3A_44, %dma_start3A_58] : memref<32x2x128x40xi32, #tpu.memory_space<hbm>> -> memref<1x1x128x40xi32, #tpu.memory_space<hbm>>
        %dma_start3A_60 = tpu.memref_squeeze %dma_start3A_59 : memref<1x1x128x40xi32, #tpu.memory_space<hbm>> -> memref<128x40xi32, #tpu.memory_space<hbm>>
        %dma_start3A_61 = arith.constant 0 : i32
        %dma_start3A_62 = tpu.memref_slice %arg8[%multiple_of3A_44, %dma_start3A_61] : memref<128x40xi32, #tpu.memory_space<vmem>> -> memref<128x40xi32, #tpu.memory_space<vmem>>
        %dma_start3A_63 = arith.constant 0 : i32
        %dma_start3A_64 = tpu.memref_slice %arg4[%add3A, %scan3A_24, %multiple_of3A_44, %dma_start3A_63] : memref<32x2x128x40xi32, #tpu.memory_space<hbm>> -> memref<1x1x128x40xi32, #tpu.memory_space<hbm>>
        %dma_start3A_65 = tpu.memref_squeeze %dma_start3A_64 : memref<1x1x128x40xi32, #tpu.memory_space<hbm>> -> memref<128x40xi32, #tpu.memory_space<hbm>>
        tpu.enqueue_dma source(%dma_start3A_65 : memref<128x40xi32, #tpu.memory_space<hbm>>) target(%dma_start3A_62 : memref<128x40xi32, #tpu.memory_space<vmem>>) target_semaphore(%run_scoped3A : memref<!tpu.dma_semaphore, #tpu.memory_space<semaphore_mem>>)
        %dma_wait3A = arith.constant 0 : i32
        %dma_wait3A_66 = tpu.memref_slice %arg8[%multiple_of3A_44, %dma_wait3A] : memref<128x40xi32, #tpu.memory_space<vmem>> -> memref<128x40xi32, #tpu.memory_space<vmem>>
        %dma_wait3A_67 = arith.constant 0 : i32
        %dma_wait3A_68 = tpu.memref_slice %arg4[%add3A, %scan3A_24, %multiple_of3A_44, %dma_wait3A_67] : memref<32x2x128x40xi32, #tpu.memory_space<hbm>> -> memref<1x1x128x40xi32, #tpu.memory_space<hbm>>
        %dma_wait3A_69 = tpu.memref_squeeze %dma_wait3A_68 : memref<1x1x128x40xi32, #tpu.memory_space<hbm>> -> memref<128x40xi32, #tpu.memory_space<hbm>>
        %dma_wait3A_70 = arith.constant 0 : i32
        %dma_wait3A_71 = tpu.memref_slice %arg8[%multiple_of3A_44, %dma_wait3A_70] : memref<128x40xi32, #tpu.memory_space<vmem>> -> memref<128x40xi32, #tpu.memory_space<vmem>>
        %dma_wait3A_72 = arith.constant 0 : i32
        %dma_wait3A_73 = tpu.memref_slice %arg4[%add3A, %scan3A_24, %multiple_of3A_44, %dma_wait3A_72] : memref<32x2x128x40xi32, #tpu.memory_space<hbm>> -> memref<1x1x128x40xi32, #tpu.memory_space<hbm>>
        %dma_wait3A_74 = tpu.memref_squeeze %dma_wait3A_73 : memref<1x1x128x40xi32, #tpu.memory_space<hbm>> -> memref<128x40xi32, #tpu.memory_space<hbm>>
        tpu.wait_dma2 semaphore(%run_scoped3A : memref<!tpu.dma_semaphore, #tpu.memory_space<semaphore_mem>>) src(%dma_wait3A_74 : memref<128x40xi32, #tpu.memory_space<hbm>>) dst(%dma_wait3A_71 : memref<128x40xi32, #tpu.memory_space<vmem>>)
        tpu.yield
      }) : () -> ()
      %scan3A_45 = arith.constant 0 : i32
      %scan3A_46 = arith.constant 1 : i32
      %eq3A = arith.constant 0 : i32
      %eq3A_47 = arith.cmpi eq, %scan3A_24, %eq3A : i32
      %convert_element_type3A = arith.extui %eq3A_47 : i1 to i32
      %cond3A = arith.constant 0 : i32
      %cond3A_48 = arith.cmpi ne, %convert_element_type3A, %cond3A : i32
      scf.if %cond3A_48 {
        %scan3A_57 = arith.constant 0 : i32
        %scan3A_58 = arith.constant 0 : i32
        %scan3A_59 = arith.constant 16 : i32
        %scan3A_60 = arith.addi %scan3A_58, %scan3A_59 : i32
        %scan3A_61 = arith.constant 1 : i32
        %scan3A_62 = scf.for %scan3A_65 = %scan3A_58 to %scan3A_60 step %scan3A_61 iter_args(%scan3A_66 = %scan3A_57) -> (i32)  : i32 {
          %mul3A_67 = arith.constant 640 : i32
          %mul3A_68 = arith.muli %arg1, %mul3A_67 : i32
          %mul3A_69 = arith.constant 40 : i32
          %mul3A_70 = arith.muli %scan3A_65, %mul3A_69 : i32
          %add3A_71 = arith.addi %mul3A_68, %mul3A_70 : i32
          %multiple_of3A_72 = tpu.assume_multiple %add3A_71, 8 : i32
          %dma_wait3A = arith.constant 0 : i32
          %dma_wait3A_73 = tpu.memref_slice %arg6[%multiple_of3A_72, %dma_wait3A] : memref<10240x128xf32, #tpu.memory_space<vmem_shared>> -> memref<40x128xf32, #tpu.memory_space<vmem_shared>>
          %dma_wait3A_74 = arith.constant 0 : i32
          %dma_wait3A_75 = tpu.memref_slice %arg6[%multiple_of3A_72, %dma_wait3A_74] : memref<10240x128xf32, #tpu.memory_space<vmem_shared>> -> memref<40x128xf32, #tpu.memory_space<vmem_shared>>
          tpu.wait_dma2 semaphore(%arg12 : memref<!tpu.dma_semaphore, #tpu.memory_space<semaphore_mem>>) src(%arg10 : memref<40x128xf32, #tpu.memory_space<vmem>>) dst(%dma_wait3A_75 : memref<40x128xf32, #tpu.memory_space<vmem_shared>>)
          %scan3A_76 = arith.constant 0 : i32
          scf.yield %scan3A_76 : i32
        }
        %scan3A_63 = arith.constant 16 : i32
        %barrier3A_64 = arith.constant 0 : index
        tpu.barrier barrier_id(%barrier3A_64)
      } else {
      }
      %scan3A_49 = arith.constant 0 : i32
      %scan3A_50 = arith.constant 0 : i32
      %scan3A_51 = arith.constant 128 : i32
      %scan3A_52 = arith.addi %scan3A_50, %scan3A_51 : i32
      %scan3A_53 = arith.constant 1 : i32
      %scan3A_54 = scf.for %scan3A_57 = %scan3A_50 to %scan3A_52 step %scan3A_53 iter_args(%scan3A_58 = %scan3A_49) -> (i32)  : i32 {
        %lt3A = arith.constant 125 : i32
        %lt3A_59 = arith.cmpi slt, %scan3A_57, %lt3A : i32
        %convert_element_type3A_60 = arith.extui %lt3A_59 : i1 to i32
        %cond3A_61 = arith.constant 0 : i32
        %cond3A_62 = arith.cmpi ne, %convert_element_type3A_60, %cond3A_61 : i32
        scf.if %cond3A_62 {
          %mul3A_68 = arith.constant 40 : i32
          %mul3A_69 = arith.muli %scan3A_57, %mul3A_68 : i32
          %multiple_of3A_70 = tpu.assume_multiple %mul3A_69, 8 : i32
          %jit3A = arith.constant 4 : i32
          %eq3A_71 = arith.constant 0 : i32
          %eq3A_72 = arith.cmpi eq, %jit3A, %eq3A_71 : i32
          %jit3A_73 = arith.constant 1 : i32
          %select_n3A = arith.select %eq3A_72, %jit3A_73, %jit3A : i32
          %rem3A = arith.remsi %scan3A_57, %select_n3A : i32
          %ne3A = arith.constant 0 : i32
          %ne3A_74 = arith.cmpi ne, %rem3A, %ne3A : i32
          %lt3A_75 = arith.constant 0 : i32
          %lt3A_76 = arith.cmpi slt, %rem3A, %lt3A_75 : i32
          %lt3A_77 = arith.constant 0 : i32
          %lt3A_78 = arith.cmpi slt, %select_n3A, %lt3A_77 : i32
          %ne3A_79 = arith.xori %lt3A_76, %lt3A_78 : i1
          %and3A = arith.andi %ne3A_79, %ne3A_74 : i1
          %add3A_80 = arith.addi %rem3A, %select_n3A : i32
          %select_n3A_81 = arith.select %and3A, %add3A_80, %rem3A : i32
          %mul3A_82 = arith.constant 40 : i32
          %mul3A_83 = arith.muli %select_n3A_81, %mul3A_82 : i32
          %multiple_of3A_84 = tpu.assume_multiple %mul3A_83, 8 : i32
          %dma_start3A = arith.constant 0 : i32
          %dma_start3A_85 = tpu.memref_slice %arg9[%multiple_of3A_84, %dma_start3A] : memref<160x128xf32, #tpu.memory_space<vmem>> -> memref<40x128xf32, #tpu.memory_space<vmem>>
          %dma_start3A_86 = tpu.memref_slice %arg7[%multiple_of3A_70] : memref<5000xi32, #tpu.memory_space<vmem>> -> memref<40xi32, #tpu.memory_space<vmem>>
          %dma_start3A_87 = arith.constant 0 : i32
          %dma_start3A_88 = arith.constant 0 : i32
          %dma_start3A_89 = tpu.memref_slice %arg2[%dma_start3A_87, %dma_start3A_88] : memref<10000x128xf32, #tpu.memory_space<hbm>> -> memref<10000x128xf32, #tpu.memory_space<hbm>>
          tpu.enqueue_indirect_dma source(%dma_start3A_89 : memref<10000x128xf32, #tpu.memory_space<hbm>>) target(%dma_start3A_85 : memref<40x128xf32, #tpu.memory_space<vmem>>) offsets(%dma_start3A_86 : memref<40xi32, #tpu.memory_space<vmem>>) semaphore(%arg11 : memref<!tpu.dma_semaphore, #tpu.memory_space<semaphore_mem>>)
        } else {
        }
        %ge3A = arith.constant 3 : i32
        %ge3A_63 = arith.cmpi sge, %scan3A_57, %ge3A : i32
        %convert_element_type3A_64 = arith.extui %ge3A_63 : i1 to i32
        %cond3A_65 = arith.constant 0 : i32
        %cond3A_66 = arith.cmpi ne, %convert_element_type3A_64, %cond3A_65 : i32
        scf.if %cond3A_66 {
          %sub3A = arith.constant 3 : i32
          %sub3A_68 = arith.subi %scan3A_57, %sub3A : i32
          %mul3A_69 = arith.constant 40 : i32
          %mul3A_70 = arith.muli %sub3A_68, %mul3A_69 : i32
          %multiple_of3A_71 = tpu.assume_multiple %mul3A_70, 8 : i32
          %jit3A = arith.constant 4 : i32
          %eq3A_72 = arith.constant 0 : i32
          %eq3A_73 = arith.cmpi eq, %jit3A, %eq3A_72 : i32
          %jit3A_74 = arith.constant 1 : i32
          %select_n3A = arith.select %eq3A_73, %jit3A_74, %jit3A : i32
          %rem3A = arith.remsi %sub3A_68, %select_n3A : i32
          %ne3A = arith.constant 0 : i32
          %ne3A_75 = arith.cmpi ne, %rem3A, %ne3A : i32
          %lt3A_76 = arith.constant 0 : i32
          %lt3A_77 = arith.cmpi slt, %rem3A, %lt3A_76 : i32
          %lt3A_78 = arith.constant 0 : i32
          %lt3A_79 = arith.cmpi slt, %select_n3A, %lt3A_78 : i32
          %ne3A_80 = arith.xori %lt3A_77, %lt3A_79 : i1
          %and3A = arith.andi %ne3A_80, %ne3A_75 : i1
          %add3A_81 = arith.addi %rem3A, %select_n3A : i32
          %select_n3A_82 = arith.select %and3A, %add3A_81, %rem3A : i32
          %mul3A_83 = arith.constant 40 : i32
          %mul3A_84 = arith.muli %select_n3A_82, %mul3A_83 : i32
          %multiple_of3A_85 = tpu.assume_multiple %mul3A_84, 8 : i32
          %dma_wait3A = arith.constant 0 : i32
          %dma_wait3A_86 = tpu.memref_slice %arg9[%multiple_of3A_85, %dma_wait3A] : memref<160x128xf32, #tpu.memory_space<vmem>> -> memref<40x128xf32, #tpu.memory_space<vmem>>
          %dma_wait3A_87 = tpu.memref_slice %arg7[%multiple_of3A_71] : memref<5000xi32, #tpu.memory_space<vmem>> -> memref<40xi32, #tpu.memory_space<vmem>>
          %dma_wait3A_88 = arith.constant 0 : i32
          %dma_wait3A_89 = arith.constant 0 : i32
          %dma_wait3A_90 = tpu.memref_slice %arg2[%dma_wait3A_88, %dma_wait3A_89] : memref<10000x128xf32, #tpu.memory_space<hbm>> -> memref<10000x128xf32, #tpu.memory_space<hbm>>
          tpu.wait_indirect_dma semaphore(%arg11 : memref<!tpu.dma_semaphore, #tpu.memory_space<semaphore_mem>>) src(%dma_wait3A_90 : memref<10000x128xf32, #tpu.memory_space<hbm>>) dst(%dma_wait3A_86 : memref<40x128xf32, #tpu.memory_space<vmem>>)
          %jit3A_91 = arith.constant 4 : i32
          %eq3A_92 = arith.constant 0 : i32
          %eq3A_93 = arith.cmpi eq, %jit3A_91, %eq3A_92 : i32
          %jit3A_94 = arith.constant 1 : i32
          %select_n3A_95 = arith.select %eq3A_93, %jit3A_94, %jit3A_91 : i32
          %rem3A_96 = arith.remsi %sub3A_68, %select_n3A_95 : i32
          %ne3A_97 = arith.constant 0 : i32
          %ne3A_98 = arith.cmpi ne, %rem3A_96, %ne3A_97 : i32
          %lt3A_99 = arith.constant 0 : i32
          %lt3A_100 = arith.cmpi slt, %rem3A_96, %lt3A_99 : i32
          %lt3A_101 = arith.constant 0 : i32
          %lt3A_102 = arith.cmpi slt, %select_n3A_95, %lt3A_101 : i32
          %ne3A_103 = arith.xori %lt3A_100, %lt3A_102 : i1
          %and3A_104 = arith.andi %ne3A_103, %ne3A_98 : i1
          %add3A_105 = arith.addi %rem3A_96, %select_n3A_95 : i32
          %select_n3A_106 = arith.select %and3A_104, %add3A_105, %rem3A_96 : i32
          %mul3A_107 = arith.constant 40 : i32
          %mul3A_108 = arith.muli %select_n3A_106, %mul3A_107 : i32
          %multiple_of3A_109 = tpu.assume_multiple %mul3A_108, 8 : i32
          "tpu.region"() ({
            %run_scoped3A = tpu.sem_alloc : memref<!tpu.dma_semaphore, #tpu.memory_space<semaphore_mem>>
            %dma_start3A = arith.constant 0 : i32
            %dma_start3A_110 = tpu.memref_slice %arg9[%multiple_of3A_109, %dma_start3A] : memref<160x128xf32, #tpu.memory_space<vmem>> -> memref<40x128xf32, #tpu.memory_space<vmem>>
            %dma_start3A_111 = arith.constant 0 : i32
            %dma_start3A_112 = tpu.memref_slice %arg8[%sub3A_68, %dma_start3A_111] : memref<128x40xi32, #tpu.memory_space<vmem>> -> memref<1x40xi32, #tpu.memory_space<vmem>>
            %dma_start3A_113 = tpu.memref_squeeze %dma_start3A_112 : memref<1x40xi32, #tpu.memory_space<vmem>> -> memref<40xi32, #tpu.memory_space<vmem>>
            %dma_start3A_114 = arith.constant 0 : i32
            %dma_start3A_115 = arith.constant 0 : i32
            %dma_start3A_116 = tpu.memref_slice %arg6[%dma_start3A_114, %dma_start3A_115] : memref<10240x128xf32, #tpu.memory_space<vmem_shared>> -> memref<10240x128xf32, #tpu.memory_space<vmem_shared>>
            tpu.enqueue_indirect_dma source(%dma_start3A_110 : memref<40x128xf32, #tpu.memory_space<vmem>>) target(%dma_start3A_116 : memref<10240x128xf32, #tpu.memory_space<vmem_shared>>) offsets(%dma_start3A_113 : memref<40xi32, #tpu.memory_space<vmem>>) semaphore(%run_scoped3A : memref<!tpu.dma_semaphore, #tpu.memory_space<semaphore_mem>>) {add = true}
            %dma_wait3A_117 = arith.constant 0 : i32
            %dma_wait3A_118 = tpu.memref_slice %arg9[%multiple_of3A_109, %dma_wait3A_117] : memref<160x128xf32, #tpu.memory_space<vmem>> -> memref<40x128xf32, #tpu.memory_space<vmem>>
            %dma_wait3A_119 = arith.constant 0 : i32
            %dma_wait3A_120 = tpu.memref_slice %arg8[%sub3A_68, %dma_wait3A_119] : memref<128x40xi32, #tpu.memory_space<vmem>> -> memref<1x40xi32, #tpu.memory_space<vmem>>
            %dma_wait3A_121 = tpu.memref_squeeze %dma_wait3A_120 : memref<1x40xi32, #tpu.memory_space<vmem>> -> memref<40xi32, #tpu.memory_space<vmem>>
            %dma_wait3A_122 = arith.constant 0 : i32
            %dma_wait3A_123 = arith.constant 0 : i32
            %dma_wait3A_124 = tpu.memref_slice %arg6[%dma_wait3A_122, %dma_wait3A_123] : memref<10240x128xf32, #tpu.memory_space<vmem_shared>> -> memref<10240x128xf32, #tpu.memory_space<vmem_shared>>
            tpu.wait_indirect_dma semaphore(%run_scoped3A : memref<!tpu.dma_semaphore, #tpu.memory_space<semaphore_mem>>) src(%dma_wait3A_118 : memref<40x128xf32, #tpu.memory_space<vmem>>) dst(%dma_wait3A_124 : memref<10240x128xf32, #tpu.memory_space<vmem_shared>>)
            tpu.yield
          }) : () -> ()
        } else {
        }
        %scan3A_67 = arith.constant 0 : i32
        scf.yield %scan3A_67 : i32
      }
      %scan3A_55 = arith.constant 128 : i32
      %scan3A_56 = arith.constant 0 : i32
      scf.yield %scan3A_56 : i32
    }
    %scan3A_21 = arith.constant 2 : i32
    %barrier3A = arith.constant 0 : index
    tpu.barrier barrier_id(%barrier3A)
    %mul3A_22 = arith.constant 640 : i32
    %mul3A_23 = arith.muli %arg1, %mul3A_22 : i32
    %multiple_of3A = tpu.assume_multiple %mul3A_23, 8 : i32
    "tpu.region"() ({
      %run_scoped3A = tpu.sem_alloc : memref<!tpu.dma_semaphore, #tpu.memory_space<semaphore_mem>>
      %dma_start3A = arith.constant 0 : i32
      %dma_start3A_24 = tpu.memref_slice %arg5[%arg0, %multiple_of3A, %dma_start3A] : memref<2x10240x128xf32, #tpu.memory_space<hbm>> -> memref<1x640x128xf32, #tpu.memory_space<hbm>>
      %dma_start3A_25 = tpu.memref_squeeze %dma_start3A_24 : memref<1x640x128xf32, #tpu.memory_space<hbm>> -> memref<640x128xf32, #tpu.memory_space<hbm>>
      %dma_start3A_26 = arith.constant 0 : i32
      %dma_start3A_27 = tpu.memref_slice %arg6[%multiple_of3A, %dma_start3A_26] : memref<10240x128xf32, #tpu.memory_space<vmem_shared>> -> memref<640x128xf32, #tpu.memory_space<vmem_shared>>
      tpu.enqueue_dma source(%dma_start3A_27 : memref<640x128xf32, #tpu.memory_space<vmem_shared>>) target(%dma_start3A_25 : memref<640x128xf32, #tpu.memory_space<hbm>>) target_semaphore(%run_scoped3A : memref<!tpu.dma_semaphore, #tpu.memory_space<semaphore_mem>>)
      %dma_wait3A = arith.constant 0 : i32
      %dma_wait3A_28 = tpu.memref_slice %arg5[%arg0, %multiple_of3A, %dma_wait3A] : memref<2x10240x128xf32, #tpu.memory_space<hbm>> -> memref<1x640x128xf32, #tpu.memory_space<hbm>>
      %dma_wait3A_29 = tpu.memref_squeeze %dma_wait3A_28 : memref<1x640x128xf32, #tpu.memory_space<hbm>> -> memref<640x128xf32, #tpu.memory_space<hbm>>
      %dma_wait3A_30 = arith.constant 0 : i32
      %dma_wait3A_31 = tpu.memref_slice %arg6[%multiple_of3A, %dma_wait3A_30] : memref<10240x128xf32, #tpu.memory_space<vmem_shared>> -> memref<640x128xf32, #tpu.memory_space<vmem_shared>>
      tpu.wait_dma2 semaphore(%run_scoped3A : memref<!tpu.dma_semaphore, #tpu.memory_space<semaphore_mem>>) src(%dma_wait3A_31 : memref<640x128xf32, #tpu.memory_space<vmem_shared>>) dst(%dma_wait3A_29 : memref<640x128xf32, #tpu.memory_space<hbm>>)
      tpu.yield
    }) : () -> ()
    return
  }
}

#map = affine_map<(d0, d1) -> (0)>
#map1 = affine_map<(d0, d1) -> (0, 0, 0)>
module attributes {stable_mosaic.version = 14 : i64} {
  func.func @_sc_degrees_body(%arg0: i32, %arg1: i32, %arg2: memref<320000xi32, #tpu.memory_space<hbm>>, %arg3: memref<320000xi32, #tpu.memory_space<hbm>>, %arg4: memref<32x2x10240xf32, #tpu.memory_space<hbm>>, %arg5: memref<10240xf32, #tpu.memory_space<vmem>>, %arg6: memref<10240xf32, #tpu.memory_space<vmem>>, %arg7: memref<10000xi32, #tpu.memory_space<vmem>>, %arg8: memref<10000xi32, #tpu.memory_space<vmem>>) attributes {dimension_semantics = [#tpu.dimension_semantics<core_parallel>, #tpu.dimension_semantics<subcore_parallel>], iteration_bounds = array<i64: 2, 16>, scalar_prefetch = 0 : i64, scratch_operands = 4 : i64, tpu.core_type = #tpu.core_type<sc_vector_subcore>, window_params = [{transform_indices = #map}, {transform_indices = #map}, {transform_indices = #map1}]} {
    %mul3A = arith.constant 16 : i32
    %mul3A_0 = arith.muli %arg0, %mul3A : i32
    %add3A = arith.addi %mul3A_0, %arg1 : i32
    %mul3A_1 = arith.constant 10000 : i32
    %mul3A_2 = arith.muli %add3A, %mul3A_1 : i32
    %multiple_of3A = tpu.assume_multiple %mul3A_2, 8 : i32
    %broadcast_in_dim3A = arith.constant 0.000000e+00 : f32
    %broadcast_in_dim3A_3 = vector.broadcast %broadcast_in_dim3A : f32 to vector<16xf32>
    %broadcast_in_dim3A_4 = arith.constant 1.000000e+00 : f32
    %broadcast_in_dim3A_5 = vector.broadcast %broadcast_in_dim3A_4 : f32 to vector<16xf32>
    %scan3A = arith.constant 0 : i32
    %scan3A_6 = arith.constant 0 : i32
    %scan3A_7 = arith.constant 640 : i32
    %scan3A_8 = arith.addi %scan3A_6, %scan3A_7 : i32
    %scan3A_9 = arith.constant 1 : i32
    %scan3A_10 = scf.for %scan3A_20 = %scan3A_6 to %scan3A_8 step %scan3A_9 iter_args(%scan3A_21 = %scan3A) -> (i32)  : i32 {
      %mul3A_22 = arith.constant 16 : i32
      %mul3A_23 = arith.muli %scan3A_20, %mul3A_22 : i32
      %swap3A = arith.index_cast %mul3A_23 : i32 to index
      %swap3A_24 = tpu.vector_load %arg5[%swap3A] {strides = array<i32>} : memref<10240xf32, #tpu.memory_space<vmem>>, vector<16xf32>,
      tpu.vector_store %arg5[%swap3A], %broadcast_in_dim3A_3 {strides = array<i32>} : memref<10240xf32, #tpu.memory_space<vmem>>, vector<16xf32>,
      %mul3A_25 = arith.constant 16 : i32
      %mul3A_26 = arith.muli %scan3A_20, %mul3A_25 : i32
      %swap3A_27 = arith.index_cast %mul3A_26 : i32 to index
      %swap3A_28 = tpu.vector_load %arg6[%swap3A_27] {strides = array<i32>} : memref<10240xf32, #tpu.memory_space<vmem>>, vector<16xf32>,
      tpu.vector_store %arg6[%swap3A_27], %broadcast_in_dim3A_3 {strides = array<i32>} : memref<10240xf32, #tpu.memory_space<vmem>>, vector<16xf32>,
      %scan3A_29 = arith.constant 0 : i32
      scf.yield %scan3A_29 : i32
    }
    %scan3A_11 = arith.constant 640 : i32
    "tpu.region"() ({
      %run_scoped3A_20 = tpu.sem_alloc : memref<!tpu.dma_semaphore, #tpu.memory_space<semaphore_mem>>
      %dma_start3A = tpu.memref_slice %arg2[%multiple_of3A] : memref<320000xi32, #tpu.memory_space<hbm>> -> memref<10000xi32, #tpu.memory_space<hbm>>
      %dma_start3A_21 = tpu.memref_slice %arg2[%multiple_of3A] : memref<320000xi32, #tpu.memory_space<hbm>> -> memref<10000xi32, #tpu.memory_space<hbm>>
      tpu.enqueue_dma source(%dma_start3A_21 : memref<10000xi32, #tpu.memory_space<hbm>>) target(%arg7 : memref<10000xi32, #tpu.memory_space<vmem>>) target_semaphore(%run_scoped3A_20 : memref<!tpu.dma_semaphore, #tpu.memory_space<semaphore_mem>>)
      %dma_wait3A = tpu.memref_slice %arg2[%multiple_of3A] : memref<320000xi32, #tpu.memory_space<hbm>> -> memref<10000xi32, #tpu.memory_space<hbm>>
      %dma_wait3A_22 = tpu.memref_slice %arg2[%multiple_of3A] : memref<320000xi32, #tpu.memory_space<hbm>> -> memref<10000xi32, #tpu.memory_space<hbm>>
      tpu.wait_dma2 semaphore(%run_scoped3A_20 : memref<!tpu.dma_semaphore, #tpu.memory_space<semaphore_mem>>) src(%dma_wait3A_22 : memref<10000xi32, #tpu.memory_space<hbm>>) dst(%arg7 : memref<10000xi32, #tpu.memory_space<vmem>>)
      tpu.yield
    }) : () -> ()
    "tpu.region"() ({
      %run_scoped3A_20 = tpu.sem_alloc : memref<!tpu.dma_semaphore, #tpu.memory_space<semaphore_mem>>
      %dma_start3A = tpu.memref_slice %arg3[%multiple_of3A] : memref<320000xi32, #tpu.memory_space<hbm>> -> memref<10000xi32, #tpu.memory_space<hbm>>
      %dma_start3A_21 = tpu.memref_slice %arg3[%multiple_of3A] : memref<320000xi32, #tpu.memory_space<hbm>> -> memref<10000xi32, #tpu.memory_space<hbm>>
      tpu.enqueue_dma source(%dma_start3A_21 : memref<10000xi32, #tpu.memory_space<hbm>>) target(%arg8 : memref<10000xi32, #tpu.memory_space<vmem>>) target_semaphore(%run_scoped3A_20 : memref<!tpu.dma_semaphore, #tpu.memory_space<semaphore_mem>>)
      %dma_wait3A = tpu.memref_slice %arg3[%multiple_of3A] : memref<320000xi32, #tpu.memory_space<hbm>> -> memref<10000xi32, #tpu.memory_space<hbm>>
      %dma_wait3A_22 = tpu.memref_slice %arg3[%multiple_of3A] : memref<320000xi32, #tpu.memory_space<hbm>> -> memref<10000xi32, #tpu.memory_space<hbm>>
      tpu.wait_dma2 semaphore(%run_scoped3A_20 : memref<!tpu.dma_semaphore, #tpu.memory_space<semaphore_mem>>) src(%dma_wait3A_22 : memref<10000xi32, #tpu.memory_space<hbm>>) dst(%arg8 : memref<10000xi32, #tpu.memory_space<vmem>>)
      tpu.yield
    }) : () -> ()
    %scan3A_12 = arith.constant 0 : i32
    %scan3A_13 = arith.constant 0 : i32
    %scan3A_14 = arith.constant 625 : i32
    %scan3A_15 = arith.addi %scan3A_13, %scan3A_14 : i32
    %scan3A_16 = arith.constant 1 : i32
    %scan3A_17 = scf.for %scan3A_20 = %scan3A_13 to %scan3A_15 step %scan3A_16 iter_args(%scan3A_21 = %scan3A_12) -> (i32)  : i32 {
      %mul3A_22 = arith.constant 16 : i32
      %mul3A_23 = arith.muli %scan3A_20, %mul3A_22 : i32
      %get3A = arith.index_cast %mul3A_23 : i32 to index
      %get3A_24 = tpu.vector_load %arg7[%get3A] {strides = array<i32>} : memref<10000xi32, #tpu.memory_space<vmem>>, vector<16xi32>,
      tpu.vector_store_idx %arg5[%get3A_24], %broadcast_in_dim3A_5 {add = true} : memref<10240xf32, #tpu.memory_space<vmem>>[vector<16xi32>], vector<16xf32>,
      %mul3A_25 = arith.constant 16 : i32
      %mul3A_26 = arith.muli %scan3A_20, %mul3A_25 : i32
      %get3A_27 = arith.index_cast %mul3A_26 : i32 to index
      %get3A_28 = tpu.vector_load %arg8[%get3A_27] {strides = array<i32>} : memref<10000xi32, #tpu.memory_space<vmem>>, vector<16xi32>,
      tpu.vector_store_idx %arg6[%get3A_28], %broadcast_in_dim3A_5 {add = true} : memref<10240xf32, #tpu.memory_space<vmem>>[vector<16xi32>], vector<16xf32>,
      %scan3A_29 = arith.constant 0 : i32
      scf.yield %scan3A_29 : i32
    }
    %scan3A_18 = arith.constant 625 : i32
    %run_scoped3A = arith.constant 0 : i32
    "tpu.region"() ({
      %run_scoped3A_20 = tpu.sem_alloc : memref<!tpu.dma_semaphore, #tpu.memory_space<semaphore_mem>>
      %dma_start3A = arith.constant 0 : i32
      %dma_start3A_21 = tpu.memref_slice %arg4[%add3A, %run_scoped3A, %dma_start3A] : memref<32x2x10240xf32, #tpu.memory_space<hbm>> -> memref<1x1x10240xf32, #tpu.memory_space<hbm>>
      %dma_start3A_22 = tpu.memref_squeeze %dma_start3A_21 : memref<1x1x10240xf32, #tpu.memory_space<hbm>> -> memref<10240xf32, #tpu.memory_space<hbm>>
      %dma_start3A_23 = arith.constant 0 : i32
      %dma_start3A_24 = tpu.memref_slice %arg4[%add3A, %run_scoped3A, %dma_start3A_23] : memref<32x2x10240xf32, #tpu.memory_space<hbm>> -> memref<1x1x10240xf32, #tpu.memory_space<hbm>>
      %dma_start3A_25 = tpu.memref_squeeze %dma_start3A_24 : memref<1x1x10240xf32, #tpu.memory_space<hbm>> -> memref<10240xf32, #tpu.memory_space<hbm>>
      tpu.enqueue_dma source(%arg5 : memref<10240xf32, #tpu.memory_space<vmem>>) target(%dma_start3A_25 : memref<10240xf32, #tpu.memory_space<hbm>>) target_semaphore(%run_scoped3A_20 : memref<!tpu.dma_semaphore, #tpu.memory_space<semaphore_mem>>)
      %dma_wait3A = arith.constant 0 : i32
      %dma_wait3A_26 = tpu.memref_slice %arg4[%add3A, %run_scoped3A, %dma_wait3A] : memref<32x2x10240xf32, #tpu.memory_space<hbm>> -> memref<1x1x10240xf32, #tpu.memory_space<hbm>>
      %dma_wait3A_27 = tpu.memref_squeeze %dma_wait3A_26 : memref<1x1x10240xf32, #tpu.memory_space<hbm>> -> memref<10240xf32, #tpu.memory_space<hbm>>
      %dma_wait3A_28 = arith.constant 0 : i32
      %dma_wait3A_29 = tpu.memref_slice %arg4[%add3A, %run_scoped3A, %dma_wait3A_28] : memref<32x2x10240xf32, #tpu.memory_space<hbm>> -> memref<1x1x10240xf32, #tpu.memory_space<hbm>>
      %dma_wait3A_30 = tpu.memref_squeeze %dma_wait3A_29 : memref<1x1x10240xf32, #tpu.memory_space<hbm>> -> memref<10240xf32, #tpu.memory_space<hbm>>
      tpu.wait_dma2 semaphore(%run_scoped3A_20 : memref<!tpu.dma_semaphore, #tpu.memory_space<semaphore_mem>>) src(%arg5 : memref<10240xf32, #tpu.memory_space<vmem>>) dst(%dma_wait3A_30 : memref<10240xf32, #tpu.memory_space<hbm>>)
      tpu.yield
    }) : () -> ()
    %run_scoped3A_19 = arith.constant 1 : i32
    "tpu.region"() ({
      %run_scoped3A_20 = tpu.sem_alloc : memref<!tpu.dma_semaphore, #tpu.memory_space<semaphore_mem>>
      %dma_start3A = arith.constant 0 : i32
      %dma_start3A_21 = tpu.memref_slice %arg4[%add3A, %run_scoped3A_19, %dma_start3A] : memref<32x2x10240xf32, #tpu.memory_space<hbm>> -> memref<1x1x10240xf32, #tpu.memory_space<hbm>>
      %dma_start3A_22 = tpu.memref_squeeze %dma_start3A_21 : memref<1x1x10240xf32, #tpu.memory_space<hbm>> -> memref<10240xf32, #tpu.memory_space<hbm>>
      %dma_start3A_23 = arith.constant 0 : i32
      %dma_start3A_24 = tpu.memref_slice %arg4[%add3A, %run_scoped3A_19, %dma_start3A_23] : memref<32x2x10240xf32, #tpu.memory_space<hbm>> -> memref<1x1x10240xf32, #tpu.memory_space<hbm>>
      %dma_start3A_25 = tpu.memref_squeeze %dma_start3A_24 : memref<1x1x10240xf32, #tpu.memory_space<hbm>> -> memref<10240xf32, #tpu.memory_space<hbm>>
      tpu.enqueue_dma source(%arg6 : memref<10240xf32, #tpu.memory_space<vmem>>) target(%dma_start3A_25 : memref<10240xf32, #tpu.memory_space<hbm>>) target_semaphore(%run_scoped3A_20 : memref<!tpu.dma_semaphore, #tpu.memory_space<semaphore_mem>>)
      %dma_wait3A = arith.constant 0 : i32
      %dma_wait3A_26 = tpu.memref_slice %arg4[%add3A, %run_scoped3A_19, %dma_wait3A] : memref<32x2x10240xf32, #tpu.memory_space<hbm>> -> memref<1x1x10240xf32, #tpu.memory_space<hbm>>
      %dma_wait3A_27 = tpu.memref_squeeze %dma_wait3A_26 : memref<1x1x10240xf32, #tpu.memory_space<hbm>> -> memref<10240xf32, #tpu.memory_space<hbm>>
      %dma_wait3A_28 = arith.constant 0 : i32
      %dma_wait3A_29 = tpu.memref_slice %arg4[%add3A, %run_scoped3A_19, %dma_wait3A_28] : memref<32x2x10240xf32, #tpu.memory_space<hbm>> -> memref<1x1x10240xf32, #tpu.memory_space<hbm>>
      %dma_wait3A_30 = tpu.memref_squeeze %dma_wait3A_29 : memref<1x1x10240xf32, #tpu.memory_space<hbm>> -> memref<10240xf32, #tpu.memory_space<hbm>>
      tpu.wait_dma2 semaphore(%run_scoped3A_20 : memref<!tpu.dma_semaphore, #tpu.memory_space<semaphore_mem>>) src(%arg6 : memref<10240xf32, #tpu.memory_space<vmem>>) dst(%dma_wait3A_30 : memref<10240xf32, #tpu.memory_space<hbm>>)
      tpu.yield
    }) : () -> ()
    return
  }
}

#map = affine_map<(d0, d1) -> (0, 0)>
#map1 = affine_map<(d0, d1) -> (0)>
#map2 = affine_map<(d0, d1) -> (0, 0, 0, 0)>
#map3 = affine_map<(d0, d1) -> (0, 0, 0)>
module attributes {stable_mosaic.version = 14 : i64} {
  func.func @_sc_propagate_body(%arg0: i32, %arg1: i32, %arg2: memref<10240x128xf32, #tpu.memory_space<hbm>>, %arg3: memref<320000xi32, #tpu.memory_space<hbm>>, %arg4: memref<32x2x128x40xi32, #tpu.memory_space<hbm>>, %arg5: memref<2x10240x128xf32, #tpu.memory_space<hbm>>, %arg6: memref<10240x128xf32, #tpu.memory_space<vmem_shared>>, %arg7: memref<5000xi32, #tpu.memory_space<vmem>>, %arg8: memref<128x40xi32, #tpu.memory_space<vmem>>, %arg9: memref<160x128xf32, #tpu.memory_space<vmem>>, %arg10: memref<40x128xf32, #tpu.memory_space<vmem>>, %arg11: memref<!tpu.dma_semaphore, #tpu.memory_space<semaphore_mem>>, %arg12: memref<!tpu.dma_semaphore, #tpu.memory_space<semaphore_mem>>) attributes {dimension_semantics = [#tpu.dimension_semantics<core_parallel>, #tpu.dimension_semantics<subcore_parallel>], iteration_bounds = array<i64: 2, 16>, scalar_prefetch = 0 : i64, scratch_operands = 7 : i64, tpu.core_type = #tpu.core_type<sc_vector_subcore>, window_params = [{transform_indices = #map}, {transform_indices = #map1}, {transform_indices = #map2}, {transform_indices = #map3}]} {
    %mul3A = arith.constant 16 : i32
    %mul3A_0 = arith.muli %arg0, %mul3A : i32
    %add3A = arith.addi %mul3A_0, %arg1 : i32
    %broadcast_in_dim3A = arith.constant 0.000000e+00 : f32
    %broadcast_in_dim3A_1 = vector.broadcast %broadcast_in_dim3A : f32 to vector<16xf32>
    %scan3A = arith.constant 0 : i32
    %scan3A_2 = arith.constant 0 : i32
    %scan3A_3 = arith.constant 320 : i32
    %scan3A_4 = arith.addi %scan3A_2, %scan3A_3 : i32
    %scan3A_5 = arith.constant 1 : i32
    %scan3A_6 = scf.for %scan3A_24 = %scan3A_2 to %scan3A_4 step %scan3A_5 iter_args(%scan3A_25 = %scan3A) -> (i32)  : i32 {
      %jit3A = arith.constant 8 : i32
      %div3A = arith.divsi %scan3A_24, %jit3A : i32
      %sign3A = arith.constant 0 : i32
      %sign3A_26 = arith.cmpi sgt, %scan3A_24, %sign3A : i32
      %sign3A_27 = arith.extui %sign3A_26 : i1 to i32
      %sign3A_28 = arith.constant 0 : i32
      %sign3A_29 = arith.cmpi slt, %scan3A_24, %sign3A_28 : i32
      %sign3A_30 = arith.extui %sign3A_29 : i1 to i32
      %sign3A_31 = arith.subi %sign3A_27, %sign3A_30 : i32
      %sign3A_32 = arith.constant 0 : i32
      %sign3A_33 = arith.cmpi sgt, %jit3A, %sign3A_32 : i32
      %sign3A_34 = arith.extui %sign3A_33 : i1 to i32
      %sign3A_35 = arith.constant 0 : i32
      %sign3A_36 = arith.cmpi slt, %jit3A, %sign3A_35 : i32
      %sign3A_37 = arith.extui %sign3A_36 : i1 to i32
      %sign3A_38 = arith.subi %sign3A_34, %sign3A_37 : i32
      %ne3A = arith.cmpi ne, %sign3A_31, %sign3A_38 : i32
      %rem3A = arith.remsi %scan3A_24, %jit3A : i32
      %ne3A_39 = arith.constant 0 : i32
      %ne3A_40 = arith.cmpi ne, %rem3A, %ne3A_39 : i32
      %and3A = arith.andi %ne3A, %ne3A_40 : i1
      %sub3A = arith.constant 1 : i32
      %sub3A_41 = arith.subi %div3A, %sub3A : i32
      %select_n3A = arith.select %and3A, %sub3A_41, %div3A : i32
      %jit3A_42 = arith.constant 8 : i32
      %eq3A = arith.constant 0 : i32
      %eq3A_43 = arith.cmpi eq, %jit3A_42, %eq3A : i32
      %jit3A_44 = arith.constant 1 : i32
      %select_n3A_45 = arith.select %eq3A_43, %jit3A_44, %jit3A_42 : i32
      %rem3A_46 = arith.remsi %scan3A_24, %select_n3A_45 : i32
      %ne3A_47 = arith.constant 0 : i32
      %ne3A_48 = arith.cmpi ne, %rem3A_46, %ne3A_47 : i32
      %lt3A = arith.constant 0 : i32
      %lt3A_49 = arith.cmpi slt, %rem3A_46, %lt3A : i32
      %lt3A_50 = arith.constant 0 : i32
      %lt3A_51 = arith.cmpi slt, %select_n3A_45, %lt3A_50 : i32
      %ne3A_52 = arith.xori %lt3A_49, %lt3A_51 : i1
      %and3A_53 = arith.andi %ne3A_52, %ne3A_48 : i1
      %add3A_54 = arith.addi %rem3A_46, %select_n3A_45 : i32
      %select_n3A_55 = arith.select %and3A_53, %add3A_54, %rem3A_46 : i32
      %mul3A_56 = arith.constant 16 : i32
      %mul3A_57 = arith.muli %select_n3A_55, %mul3A_56 : i32
      %swap3A = arith.index_cast %select_n3A : i32 to index
      %swap3A_58 = arith.index_cast %mul3A_57 : i32 to index
      %swap3A_59 = tpu.vector_load %arg10[%swap3A, %swap3A_58] {strides = array<i32>} : memref<40x128xf32, #tpu.memory_space<vmem>>, vector<16xf32>,
      tpu.vector_store %arg10[%swap3A, %swap3A_58], %broadcast_in_dim3A_1 {strides = array<i32>} : memref<40x128xf32, #tpu.memory_space<vmem>>, vector<16xf32>,
      %scan3A_60 = arith.constant 0 : i32
      scf.yield %scan3A_60 : i32
    }
    %scan3A_7 = arith.constant 320 : i32
    %scan3A_8 = arith.constant 0 : i32
    %scan3A_9 = arith.constant 0 : i32
    %scan3A_10 = arith.constant 16 : i32
    %scan3A_11 = arith.addi %scan3A_9, %scan3A_10 : i32
    %scan3A_12 = arith.constant 1 : i32
    %scan3A_13 = scf.for %scan3A_24 = %scan3A_9 to %scan3A_11 step %scan3A_12 iter_args(%scan3A_25 = %scan3A_8) -> (i32)  : i32 {
      %mul3A_26 = arith.constant 640 : i32
      %mul3A_27 = arith.muli %arg1, %mul3A_26 : i32
      %mul3A_28 = arith.constant 40 : i32
      %mul3A_29 = arith.muli %scan3A_24, %mul3A_28 : i32
      %add3A_30 = arith.addi %mul3A_27, %mul3A_29 : i32
      %multiple_of3A_31 = tpu.assume_multiple %add3A_30, 8 : i32
      %dma_start3A = arith.constant 0 : i32
      %dma_start3A_32 = tpu.memref_slice %arg6[%multiple_of3A_31, %dma_start3A] : memref<10240x128xf32, #tpu.memory_space<vmem_shared>> -> memref<40x128xf32, #tpu.memory_space<vmem_shared>>
      %dma_start3A_33 = arith.constant 0 : i32
      %dma_start3A_34 = tpu.memref_slice %arg6[%multiple_of3A_31, %dma_start3A_33] : memref<10240x128xf32, #tpu.memory_space<vmem_shared>> -> memref<40x128xf32, #tpu.memory_space<vmem_shared>>
      tpu.enqueue_dma source(%arg10 : memref<40x128xf32, #tpu.memory_space<vmem>>) target(%dma_start3A_34 : memref<40x128xf32, #tpu.memory_space<vmem_shared>>) target_semaphore(%arg12 : memref<!tpu.dma_semaphore, #tpu.memory_space<semaphore_mem>>)
      %scan3A_35 = arith.constant 0 : i32
      scf.yield %scan3A_35 : i32
    }
    %scan3A_14 = arith.constant 16 : i32
    %scan3A_15 = arith.constant 0 : i32
    %scan3A_16 = arith.constant 0 : i32
    %scan3A_17 = arith.constant 2 : i32
    %scan3A_18 = arith.addi %scan3A_16, %scan3A_17 : i32
    %scan3A_19 = arith.constant 1 : i32
    %scan3A_20 = scf.for %scan3A_24 = %scan3A_16 to %scan3A_18 step %scan3A_19 iter_args(%scan3A_25 = %scan3A_15) -> (i32)  : i32 {
      %scan3A_26 = arith.constant 0 : i32
      %scan3A_27 = arith.constant 0 : i32
      %mul3A_28 = arith.constant 5000 : i32
      %mul3A_29 = arith.muli %scan3A_27, %mul3A_28 : i32
      %multiple_of3A_30 = tpu.assume_multiple %mul3A_29, 8 : i32
      %mul3A_31 = arith.constant 10000 : i32
      %mul3A_32 = arith.muli %add3A, %mul3A_31 : i32
      %mul3A_33 = arith.constant 5000 : i32
      %mul3A_34 = arith.muli %scan3A_24, %mul3A_33 : i32
      %add3A_35 = arith.addi %mul3A_32, %mul3A_34 : i32
      %add3A_36 = arith.addi %add3A_35, %multiple_of3A_30 : i32
      %multiple_of3A_37 = tpu.assume_multiple %add3A_36, 8 : i32
      "tpu.region"() ({
        %run_scoped3A = tpu.sem_alloc : memref<!tpu.dma_semaphore, #tpu.memory_space<semaphore_mem>>
        %dma_start3A = tpu.memref_slice %arg7[%multiple_of3A_30] : memref<5000xi32, #tpu.memory_space<vmem>> -> memref<5000xi32, #tpu.memory_space<vmem>>
        %dma_start3A_57 = tpu.memref_slice %arg3[%multiple_of3A_37] : memref<320000xi32, #tpu.memory_space<hbm>> -> memref<5000xi32, #tpu.memory_space<hbm>>
        %dma_start3A_58 = tpu.memref_slice %arg7[%multiple_of3A_30] : memref<5000xi32, #tpu.memory_space<vmem>> -> memref<5000xi32, #tpu.memory_space<vmem>>
        %dma_start3A_59 = tpu.memref_slice %arg3[%multiple_of3A_37] : memref<320000xi32, #tpu.memory_space<hbm>> -> memref<5000xi32, #tpu.memory_space<hbm>>
        tpu.enqueue_dma source(%dma_start3A_59 : memref<5000xi32, #tpu.memory_space<hbm>>) target(%dma_start3A_58 : memref<5000xi32, #tpu.memory_space<vmem>>) target_semaphore(%run_scoped3A : memref<!tpu.dma_semaphore, #tpu.memory_space<semaphore_mem>>)
        %dma_wait3A = tpu.memref_slice %arg7[%multiple_of3A_30] : memref<5000xi32, #tpu.memory_space<vmem>> -> memref<5000xi32, #tpu.memory_space<vmem>>
        %dma_wait3A_60 = tpu.memref_slice %arg3[%multiple_of3A_37] : memref<320000xi32, #tpu.memory_space<hbm>> -> memref<5000xi32, #tpu.memory_space<hbm>>
        %dma_wait3A_61 = tpu.memref_slice %arg7[%multiple_of3A_30] : memref<5000xi32, #tpu.memory_space<vmem>> -> memref<5000xi32, #tpu.memory_space<vmem>>
        %dma_wait3A_62 = tpu.memref_slice %arg3[%multiple_of3A_37] : memref<320000xi32, #tpu.memory_space<hbm>> -> memref<5000xi32, #tpu.memory_space<hbm>>
        tpu.wait_dma2 semaphore(%run_scoped3A : memref<!tpu.dma_semaphore, #tpu.memory_space<semaphore_mem>>) src(%dma_wait3A_62 : memref<5000xi32, #tpu.memory_space<hbm>>) dst(%dma_wait3A_61 : memref<5000xi32, #tpu.memory_space<vmem>>)
        tpu.yield
      }) : () -> ()
      %scan3A_38 = arith.constant 0 : i32
      %scan3A_39 = arith.constant 1 : i32
      %scan3A_40 = arith.constant 0 : i32
      %scan3A_41 = arith.constant 0 : i32
      %mul3A_42 = arith.constant 128 : i32
      %mul3A_43 = arith.muli %scan3A_41, %mul3A_42 : i32
      %multiple_of3A_44 = tpu.assume_multiple %mul3A_43, 8 : i32
      "tpu.region"() ({
        %run_scoped3A = tpu.sem_alloc : memref<!tpu.dma_semaphore, #tpu.memory_space<semaphore_mem>>
        %dma_start3A = arith.constant 0 : i32
        %dma_start3A_57 = tpu.memref_slice %arg8[%multiple_of3A_44, %dma_start3A] : memref<128x40xi32, #tpu.memory_space<vmem>> -> memref<128x40xi32, #tpu.memory_space<vmem>>
        %dma_start3A_58 = arith.constant 0 : i32
        %dma_start3A_59 = tpu.memref_slice %arg4[%add3A, %scan3A_24, %multiple_of3A_44, %dma_start3A_58] : memref<32x2x128x40xi32, #tpu.memory_space<hbm>> -> memref<1x1x128x40xi32, #tpu.memory_space<hbm>>
        %dma_start3A_60 = tpu.memref_squeeze %dma_start3A_59 : memref<1x1x128x40xi32, #tpu.memory_space<hbm>> -> memref<128x40xi32, #tpu.memory_space<hbm>>
        %dma_start3A_61 = arith.constant 0 : i32
        %dma_start3A_62 = tpu.memref_slice %arg8[%multiple_of3A_44, %dma_start3A_61] : memref<128x40xi32, #tpu.memory_space<vmem>> -> memref<128x40xi32, #tpu.memory_space<vmem>>
        %dma_start3A_63 = arith.constant 0 : i32
        %dma_start3A_64 = tpu.memref_slice %arg4[%add3A, %scan3A_24, %multiple_of3A_44, %dma_start3A_63] : memref<32x2x128x40xi32, #tpu.memory_space<hbm>> -> memref<1x1x128x40xi32, #tpu.memory_space<hbm>>
        %dma_start3A_65 = tpu.memref_squeeze %dma_start3A_64 : memref<1x1x128x40xi32, #tpu.memory_space<hbm>> -> memref<128x40xi32, #tpu.memory_space<hbm>>
        tpu.enqueue_dma source(%dma_start3A_65 : memref<128x40xi32, #tpu.memory_space<hbm>>) target(%dma_start3A_62 : memref<128x40xi32, #tpu.memory_space<vmem>>) target_semaphore(%run_scoped3A : memref<!tpu.dma_semaphore, #tpu.memory_space<semaphore_mem>>)
        %dma_wait3A = arith.constant 0 : i32
        %dma_wait3A_66 = tpu.memref_slice %arg8[%multiple_of3A_44, %dma_wait3A] : memref<128x40xi32, #tpu.memory_space<vmem>> -> memref<128x40xi32, #tpu.memory_space<vmem>>
        %dma_wait3A_67 = arith.constant 0 : i32
        %dma_wait3A_68 = tpu.memref_slice %arg4[%add3A, %scan3A_24, %multiple_of3A_44, %dma_wait3A_67] : memref<32x2x128x40xi32, #tpu.memory_space<hbm>> -> memref<1x1x128x40xi32, #tpu.memory_space<hbm>>
        %dma_wait3A_69 = tpu.memref_squeeze %dma_wait3A_68 : memref<1x1x128x40xi32, #tpu.memory_space<hbm>> -> memref<128x40xi32, #tpu.memory_space<hbm>>
        %dma_wait3A_70 = arith.constant 0 : i32
        %dma_wait3A_71 = tpu.memref_slice %arg8[%multiple_of3A_44, %dma_wait3A_70] : memref<128x40xi32, #tpu.memory_space<vmem>> -> memref<128x40xi32, #tpu.memory_space<vmem>>
        %dma_wait3A_72 = arith.constant 0 : i32
        %dma_wait3A_73 = tpu.memref_slice %arg4[%add3A, %scan3A_24, %multiple_of3A_44, %dma_wait3A_72] : memref<32x2x128x40xi32, #tpu.memory_space<hbm>> -> memref<1x1x128x40xi32, #tpu.memory_space<hbm>>
        %dma_wait3A_74 = tpu.memref_squeeze %dma_wait3A_73 : memref<1x1x128x40xi32, #tpu.memory_space<hbm>> -> memref<128x40xi32, #tpu.memory_space<hbm>>
        tpu.wait_dma2 semaphore(%run_scoped3A : memref<!tpu.dma_semaphore, #tpu.memory_space<semaphore_mem>>) src(%dma_wait3A_74 : memref<128x40xi32, #tpu.memory_space<hbm>>) dst(%dma_wait3A_71 : memref<128x40xi32, #tpu.memory_space<vmem>>)
        tpu.yield
      }) : () -> ()
      %scan3A_45 = arith.constant 0 : i32
      %scan3A_46 = arith.constant 1 : i32
      %eq3A = arith.constant 0 : i32
      %eq3A_47 = arith.cmpi eq, %scan3A_24, %eq3A : i32
      %convert_element_type3A = arith.extui %eq3A_47 : i1 to i32
      %cond3A = arith.constant 0 : i32
      %cond3A_48 = arith.cmpi ne, %convert_element_type3A, %cond3A : i32
      scf.if %cond3A_48 {
        %scan3A_57 = arith.constant 0 : i32
        %scan3A_58 = arith.constant 0 : i32
        %scan3A_59 = arith.constant 16 : i32
        %scan3A_60 = arith.addi %scan3A_58, %scan3A_59 : i32
        %scan3A_61 = arith.constant 1 : i32
        %scan3A_62 = scf.for %scan3A_65 = %scan3A_58 to %scan3A_60 step %scan3A_61 iter_args(%scan3A_66 = %scan3A_57) -> (i32)  : i32 {
          %mul3A_67 = arith.constant 640 : i32
          %mul3A_68 = arith.muli %arg1, %mul3A_67 : i32
          %mul3A_69 = arith.constant 40 : i32
          %mul3A_70 = arith.muli %scan3A_65, %mul3A_69 : i32
          %add3A_71 = arith.addi %mul3A_68, %mul3A_70 : i32
          %multiple_of3A_72 = tpu.assume_multiple %add3A_71, 8 : i32
          %dma_wait3A = arith.constant 0 : i32
          %dma_wait3A_73 = tpu.memref_slice %arg6[%multiple_of3A_72, %dma_wait3A] : memref<10240x128xf32, #tpu.memory_space<vmem_shared>> -> memref<40x128xf32, #tpu.memory_space<vmem_shared>>
          %dma_wait3A_74 = arith.constant 0 : i32
          %dma_wait3A_75 = tpu.memref_slice %arg6[%multiple_of3A_72, %dma_wait3A_74] : memref<10240x128xf32, #tpu.memory_space<vmem_shared>> -> memref<40x128xf32, #tpu.memory_space<vmem_shared>>
          tpu.wait_dma2 semaphore(%arg12 : memref<!tpu.dma_semaphore, #tpu.memory_space<semaphore_mem>>) src(%arg10 : memref<40x128xf32, #tpu.memory_space<vmem>>) dst(%dma_wait3A_75 : memref<40x128xf32, #tpu.memory_space<vmem_shared>>)
          %scan3A_76 = arith.constant 0 : i32
          scf.yield %scan3A_76 : i32
        }
        %scan3A_63 = arith.constant 16 : i32
        %barrier3A_64 = arith.constant 0 : index
        tpu.barrier barrier_id(%barrier3A_64)
      } else {
      }
      %scan3A_49 = arith.constant 0 : i32
      %scan3A_50 = arith.constant 0 : i32
      %scan3A_51 = arith.constant 128 : i32
      %scan3A_52 = arith.addi %scan3A_50, %scan3A_51 : i32
      %scan3A_53 = arith.constant 1 : i32
      %scan3A_54 = scf.for %scan3A_57 = %scan3A_50 to %scan3A_52 step %scan3A_53 iter_args(%scan3A_58 = %scan3A_49) -> (i32)  : i32 {
        %lt3A = arith.constant 125 : i32
        %lt3A_59 = arith.cmpi slt, %scan3A_57, %lt3A : i32
        %convert_element_type3A_60 = arith.extui %lt3A_59 : i1 to i32
        %cond3A_61 = arith.constant 0 : i32
        %cond3A_62 = arith.cmpi ne, %convert_element_type3A_60, %cond3A_61 : i32
        scf.if %cond3A_62 {
          %mul3A_68 = arith.constant 40 : i32
          %mul3A_69 = arith.muli %scan3A_57, %mul3A_68 : i32
          %multiple_of3A_70 = tpu.assume_multiple %mul3A_69, 8 : i32
          %jit3A = arith.constant 4 : i32
          %eq3A_71 = arith.constant 0 : i32
          %eq3A_72 = arith.cmpi eq, %jit3A, %eq3A_71 : i32
          %jit3A_73 = arith.constant 1 : i32
          %select_n3A = arith.select %eq3A_72, %jit3A_73, %jit3A : i32
          %rem3A = arith.remsi %scan3A_57, %select_n3A : i32
          %ne3A = arith.constant 0 : i32
          %ne3A_74 = arith.cmpi ne, %rem3A, %ne3A : i32
          %lt3A_75 = arith.constant 0 : i32
          %lt3A_76 = arith.cmpi slt, %rem3A, %lt3A_75 : i32
          %lt3A_77 = arith.constant 0 : i32
          %lt3A_78 = arith.cmpi slt, %select_n3A, %lt3A_77 : i32
          %ne3A_79 = arith.xori %lt3A_76, %lt3A_78 : i1
          %and3A = arith.andi %ne3A_79, %ne3A_74 : i1
          %add3A_80 = arith.addi %rem3A, %select_n3A : i32
          %select_n3A_81 = arith.select %and3A, %add3A_80, %rem3A : i32
          %mul3A_82 = arith.constant 40 : i32
          %mul3A_83 = arith.muli %select_n3A_81, %mul3A_82 : i32
          %multiple_of3A_84 = tpu.assume_multiple %mul3A_83, 8 : i32
          %dma_start3A = arith.constant 0 : i32
          %dma_start3A_85 = tpu.memref_slice %arg9[%multiple_of3A_84, %dma_start3A] : memref<160x128xf32, #tpu.memory_space<vmem>> -> memref<40x128xf32, #tpu.memory_space<vmem>>
          %dma_start3A_86 = tpu.memref_slice %arg7[%multiple_of3A_70] : memref<5000xi32, #tpu.memory_space<vmem>> -> memref<40xi32, #tpu.memory_space<vmem>>
          %dma_start3A_87 = arith.constant 0 : i32
          %dma_start3A_88 = arith.constant 0 : i32
          %dma_start3A_89 = tpu.memref_slice %arg2[%dma_start3A_87, %dma_start3A_88] : memref<10240x128xf32, #tpu.memory_space<hbm>> -> memref<10240x128xf32, #tpu.memory_space<hbm>>
          tpu.enqueue_indirect_dma source(%dma_start3A_89 : memref<10240x128xf32, #tpu.memory_space<hbm>>) target(%dma_start3A_85 : memref<40x128xf32, #tpu.memory_space<vmem>>) offsets(%dma_start3A_86 : memref<40xi32, #tpu.memory_space<vmem>>) semaphore(%arg11 : memref<!tpu.dma_semaphore, #tpu.memory_space<semaphore_mem>>)
        } else {
        }
        %ge3A = arith.constant 3 : i32
        %ge3A_63 = arith.cmpi sge, %scan3A_57, %ge3A : i32
        %convert_element_type3A_64 = arith.extui %ge3A_63 : i1 to i32
        %cond3A_65 = arith.constant 0 : i32
        %cond3A_66 = arith.cmpi ne, %convert_element_type3A_64, %cond3A_65 : i32
        scf.if %cond3A_66 {
          %sub3A = arith.constant 3 : i32
          %sub3A_68 = arith.subi %scan3A_57, %sub3A : i32
          %mul3A_69 = arith.constant 40 : i32
          %mul3A_70 = arith.muli %sub3A_68, %mul3A_69 : i32
          %multiple_of3A_71 = tpu.assume_multiple %mul3A_70, 8 : i32
          %jit3A = arith.constant 4 : i32
          %eq3A_72 = arith.constant 0 : i32
          %eq3A_73 = arith.cmpi eq, %jit3A, %eq3A_72 : i32
          %jit3A_74 = arith.constant 1 : i32
          %select_n3A = arith.select %eq3A_73, %jit3A_74, %jit3A : i32
          %rem3A = arith.remsi %sub3A_68, %select_n3A : i32
          %ne3A = arith.constant 0 : i32
          %ne3A_75 = arith.cmpi ne, %rem3A, %ne3A : i32
          %lt3A_76 = arith.constant 0 : i32
          %lt3A_77 = arith.cmpi slt, %rem3A, %lt3A_76 : i32
          %lt3A_78 = arith.constant 0 : i32
          %lt3A_79 = arith.cmpi slt, %select_n3A, %lt3A_78 : i32
          %ne3A_80 = arith.xori %lt3A_77, %lt3A_79 : i1
          %and3A = arith.andi %ne3A_80, %ne3A_75 : i1
          %add3A_81 = arith.addi %rem3A, %select_n3A : i32
          %select_n3A_82 = arith.select %and3A, %add3A_81, %rem3A : i32
          %mul3A_83 = arith.constant 40 : i32
          %mul3A_84 = arith.muli %select_n3A_82, %mul3A_83 : i32
          %multiple_of3A_85 = tpu.assume_multiple %mul3A_84, 8 : i32
          %dma_wait3A = arith.constant 0 : i32
          %dma_wait3A_86 = tpu.memref_slice %arg9[%multiple_of3A_85, %dma_wait3A] : memref<160x128xf32, #tpu.memory_space<vmem>> -> memref<40x128xf32, #tpu.memory_space<vmem>>
          %dma_wait3A_87 = tpu.memref_slice %arg7[%multiple_of3A_71] : memref<5000xi32, #tpu.memory_space<vmem>> -> memref<40xi32, #tpu.memory_space<vmem>>
          %dma_wait3A_88 = arith.constant 0 : i32
          %dma_wait3A_89 = arith.constant 0 : i32
          %dma_wait3A_90 = tpu.memref_slice %arg2[%dma_wait3A_88, %dma_wait3A_89] : memref<10240x128xf32, #tpu.memory_space<hbm>> -> memref<10240x128xf32, #tpu.memory_space<hbm>>
          tpu.wait_indirect_dma semaphore(%arg11 : memref<!tpu.dma_semaphore, #tpu.memory_space<semaphore_mem>>) src(%dma_wait3A_90 : memref<10240x128xf32, #tpu.memory_space<hbm>>) dst(%dma_wait3A_86 : memref<40x128xf32, #tpu.memory_space<vmem>>)
          %jit3A_91 = arith.constant 4 : i32
          %eq3A_92 = arith.constant 0 : i32
          %eq3A_93 = arith.cmpi eq, %jit3A_91, %eq3A_92 : i32
          %jit3A_94 = arith.constant 1 : i32
          %select_n3A_95 = arith.select %eq3A_93, %jit3A_94, %jit3A_91 : i32
          %rem3A_96 = arith.remsi %sub3A_68, %select_n3A_95 : i32
          %ne3A_97 = arith.constant 0 : i32
          %ne3A_98 = arith.cmpi ne, %rem3A_96, %ne3A_97 : i32
          %lt3A_99 = arith.constant 0 : i32
          %lt3A_100 = arith.cmpi slt, %rem3A_96, %lt3A_99 : i32
          %lt3A_101 = arith.constant 0 : i32
          %lt3A_102 = arith.cmpi slt, %select_n3A_95, %lt3A_101 : i32
          %ne3A_103 = arith.xori %lt3A_100, %lt3A_102 : i1
          %and3A_104 = arith.andi %ne3A_103, %ne3A_98 : i1
          %add3A_105 = arith.addi %rem3A_96, %select_n3A_95 : i32
          %select_n3A_106 = arith.select %and3A_104, %add3A_105, %rem3A_96 : i32
          %mul3A_107 = arith.constant 40 : i32
          %mul3A_108 = arith.muli %select_n3A_106, %mul3A_107 : i32
          %multiple_of3A_109 = tpu.assume_multiple %mul3A_108, 8 : i32
          "tpu.region"() ({
            %run_scoped3A = tpu.sem_alloc : memref<!tpu.dma_semaphore, #tpu.memory_space<semaphore_mem>>
            %dma_start3A = arith.constant 0 : i32
            %dma_start3A_110 = tpu.memref_slice %arg9[%multiple_of3A_109, %dma_start3A] : memref<160x128xf32, #tpu.memory_space<vmem>> -> memref<40x128xf32, #tpu.memory_space<vmem>>
            %dma_start3A_111 = arith.constant 0 : i32
            %dma_start3A_112 = tpu.memref_slice %arg8[%sub3A_68, %dma_start3A_111] : memref<128x40xi32, #tpu.memory_space<vmem>> -> memref<1x40xi32, #tpu.memory_space<vmem>>
            %dma_start3A_113 = tpu.memref_squeeze %dma_start3A_112 : memref<1x40xi32, #tpu.memory_space<vmem>> -> memref<40xi32, #tpu.memory_space<vmem>>
            %dma_start3A_114 = arith.constant 0 : i32
            %dma_start3A_115 = arith.constant 0 : i32
            %dma_start3A_116 = tpu.memref_slice %arg6[%dma_start3A_114, %dma_start3A_115] : memref<10240x128xf32, #tpu.memory_space<vmem_shared>> -> memref<10240x128xf32, #tpu.memory_space<vmem_shared>>
            tpu.enqueue_indirect_dma source(%dma_start3A_110 : memref<40x128xf32, #tpu.memory_space<vmem>>) target(%dma_start3A_116 : memref<10240x128xf32, #tpu.memory_space<vmem_shared>>) offsets(%dma_start3A_113 : memref<40xi32, #tpu.memory_space<vmem>>) semaphore(%run_scoped3A : memref<!tpu.dma_semaphore, #tpu.memory_space<semaphore_mem>>) {add = true}
            %dma_wait3A_117 = arith.constant 0 : i32
            %dma_wait3A_118 = tpu.memref_slice %arg9[%multiple_of3A_109, %dma_wait3A_117] : memref<160x128xf32, #tpu.memory_space<vmem>> -> memref<40x128xf32, #tpu.memory_space<vmem>>
            %dma_wait3A_119 = arith.constant 0 : i32
            %dma_wait3A_120 = tpu.memref_slice %arg8[%sub3A_68, %dma_wait3A_119] : memref<128x40xi32, #tpu.memory_space<vmem>> -> memref<1x40xi32, #tpu.memory_space<vmem>>
            %dma_wait3A_121 = tpu.memref_squeeze %dma_wait3A_120 : memref<1x40xi32, #tpu.memory_space<vmem>> -> memref<40xi32, #tpu.memory_space<vmem>>
            %dma_wait3A_122 = arith.constant 0 : i32
            %dma_wait3A_123 = arith.constant 0 : i32
            %dma_wait3A_124 = tpu.memref_slice %arg6[%dma_wait3A_122, %dma_wait3A_123] : memref<10240x128xf32, #tpu.memory_space<vmem_shared>> -> memref<10240x128xf32, #tpu.memory_space<vmem_shared>>
            tpu.wait_indirect_dma semaphore(%run_scoped3A : memref<!tpu.dma_semaphore, #tpu.memory_space<semaphore_mem>>) src(%dma_wait3A_118 : memref<40x128xf32, #tpu.memory_space<vmem>>) dst(%dma_wait3A_124 : memref<10240x128xf32, #tpu.memory_space<vmem_shared>>)
            tpu.yield
          }) : () -> ()
        } else {
        }
        %scan3A_67 = arith.constant 0 : i32
        scf.yield %scan3A_67 : i32
      }
      %scan3A_55 = arith.constant 128 : i32
      %scan3A_56 = arith.constant 0 : i32
      scf.yield %scan3A_56 : i32
    }
    %scan3A_21 = arith.constant 2 : i32
    %barrier3A = arith.constant 0 : index
    tpu.barrier barrier_id(%barrier3A)
    %mul3A_22 = arith.constant 640 : i32
    %mul3A_23 = arith.muli %arg1, %mul3A_22 : i32
    %multiple_of3A = tpu.assume_multiple %mul3A_23, 8 : i32
    "tpu.region"() ({
      %run_scoped3A = tpu.sem_alloc : memref<!tpu.dma_semaphore, #tpu.memory_space<semaphore_mem>>
      %dma_start3A = arith.constant 0 : i32
      %dma_start3A_24 = tpu.memref_slice %arg5[%arg0, %multiple_of3A, %dma_start3A] : memref<2x10240x128xf32, #tpu.memory_space<hbm>> -> memref<1x640x128xf32, #tpu.memory_space<hbm>>
      %dma_start3A_25 = tpu.memref_squeeze %dma_start3A_24 : memref<1x640x128xf32, #tpu.memory_space<hbm>> -> memref<640x128xf32, #tpu.memory_space<hbm>>
      %dma_start3A_26 = arith.constant 0 : i32
      %dma_start3A_27 = tpu.memref_slice %arg6[%multiple_of3A, %dma_start3A_26] : memref<10240x128xf32, #tpu.memory_space<vmem_shared>> -> memref<640x128xf32, #tpu.memory_space<vmem_shared>>
      tpu.enqueue_dma source(%dma_start3A_27 : memref<640x128xf32, #tpu.memory_space<vmem_shared>>) target(%dma_start3A_25 : memref<640x128xf32, #tpu.memory_space<hbm>>) target_semaphore(%run_scoped3A : memref<!tpu.dma_semaphore, #tpu.memory_space<semaphore_mem>>)
      %dma_wait3A = arith.constant 0 : i32
      %dma_wait3A_28 = tpu.memref_slice %arg5[%arg0, %multiple_of3A, %dma_wait3A] : memref<2x10240x128xf32, #tpu.memory_space<hbm>> -> memref<1x640x128xf32, #tpu.memory_space<hbm>>
      %dma_wait3A_29 = tpu.memref_squeeze %dma_wait3A_28 : memref<1x640x128xf32, #tpu.memory_space<hbm>> -> memref<640x128xf32, #tpu.memory_space<hbm>>
      %dma_wait3A_30 = arith.constant 0 : i32
      %dma_wait3A_31 = tpu.memref_slice %arg6[%multiple_of3A, %dma_wait3A_30] : memref<10240x128xf32, #tpu.memory_space<vmem_shared>> -> memref<640x128xf32, #tpu.memory_space<vmem_shared>>
      tpu.wait_dma2 semaphore(%run_scoped3A : memref<!tpu.dma_semaphore, #tpu.memory_space<semaphore_mem>>) src(%dma_wait3A_31 : memref<640x128xf32, #tpu.memory_space<vmem_shared>>) dst(%dma_wait3A_29 : memref<640x128xf32, #tpu.memory_space<hbm>>)
      tpu.yield
    }) : () -> ()
    return
  }
}

module attributes {stable_mosaic.version = 14 : i64} {
  func.func @_stage1_body(%arg0: i32, %arg1: memref<2000x128xf32, #tpu.memory_space<vmem>>, %arg2: memref<128x128xf32, #tpu.memory_space<vmem>>, %arg3: memref<1x128xf32, #tpu.memory_space<vmem>>, %arg4: memref<128x128xf32, #tpu.memory_space<vmem>>, %arg5: memref<2000x128xf32, #tpu.memory_space<vmem>>) attributes {dimension_semantics = [#tpu.dimension_semantics<arbitrary>], iteration_bounds = array<i64: 5>, scalar_prefetch = 0 : i64, scratch_operands = 0 : i64, tpu.core_type = #tpu.core_type<tc>, window_params = [{transform_indices = @transform_0, window_bounds = array<i64: 2000, 128>}, {pipeline_mode = #tpu.pipeline_mode<synchronous>, transform_indices = @transform_1, window_bounds = array<i64: 128, 128>}, {pipeline_mode = #tpu.pipeline_mode<synchronous>, transform_indices = @transform_2, window_bounds = array<i64: 1, 128>}, {pipeline_mode = #tpu.pipeline_mode<synchronous>, transform_indices = @transform_3, window_bounds = array<i64: 128, 128>}, {transform_indices = @transform_4, window_bounds = array<i64: 2000, 128>}]} {
    %get3A = arith.constant 0 : index
    %get3A_0 = arith.constant 0 : index
    %get3A_1 = vector.load %arg1[%get3A, %get3A_0] : memref<2000x128xf32, #tpu.memory_space<vmem>>, vector<2000x128xf32>
    %get3A_2 = arith.constant 0 : index
    %get3A_3 = arith.constant 0 : index
    %get3A_4 = vector.load %arg2[%get3A_2, %get3A_3] : memref<128x128xf32, #tpu.memory_space<vmem>>, vector<128x128xf32>
    %dot_general3A = arith.constant dense<0.000000e+00> : vector<2000x128xf32>
    %dot_general3A_5 = tpu.matmul %get3A_1, %get3A_4, %dot_general3A {dimension_numbers = #tpu.dot_dimension_numbers<[1], [0], [0], [1], [0, 0, 1, 1], [], []>, transpose_lhs_hint = false} : vector<2000x128xf32>, vector<128x128xf32>, vector<2000x128xf32> -> vector<2000x128xf32>
    %get3A_6 = arith.constant 0 : index
    %get3A_7 = arith.constant 0 : index
    %get3A_8 = vector.load %arg3[%get3A_6, %get3A_7] : memref<1x128xf32, #tpu.memory_space<vmem>>, vector<1x128xf32>
    %add3A = vector.broadcast %get3A_8 : vector<1x128xf32> to vector<2000x128xf32>
    %add3A_9 = arith.addf %dot_general3A_5, %add3A : vector<2000x128xf32>
    %max3A = arith.constant 0.000000e+00 : f32
    %max3A_10 = vector.broadcast %max3A : f32 to vector<2000x128xf32>
    %max3A_11 = arith.maximumf %add3A_9, %max3A_10 : vector<2000x128xf32>
    %get3A_12 = arith.constant 0 : index
    %get3A_13 = arith.constant 0 : index
    %get3A_14 = vector.load %arg4[%get3A_12, %get3A_13] : memref<128x128xf32, #tpu.memory_space<vmem>>, vector<128x128xf32>
    %dot_general3A_15 = arith.constant dense<0.000000e+00> : vector<2000x128xf32>
    %dot_general3A_16 = tpu.matmul %max3A_11, %get3A_14, %dot_general3A_15 {dimension_numbers = #tpu.dot_dimension_numbers<[1], [0], [0], [1], [0, 0, 1, 1], [], []>, transpose_lhs_hint = false} : vector<2000x128xf32>, vector<128x128xf32>, vector<2000x128xf32> -> vector<2000x128xf32>
    %swap3A = arith.constant 0 : index
    %swap3A_17 = arith.constant 0 : index
    %swap3A_18 = vector.load %arg5[%swap3A, %swap3A_17] : memref<2000x128xf32, #tpu.memory_space<vmem>>, vector<2000x128xf32>
    tpu.vector_store %arg5[%swap3A, %swap3A_17], %dot_general3A_16 {strides = array<i32>} : memref<2000x128xf32, #tpu.memory_space<vmem>>, vector<2000x128xf32>,
    return
  }
  func.func @transform_0(%arg0: i32) -> (i32, i32) {
    %c0_i32 = arith.constant 0 : i32
    %c0_i32_0 = arith.constant 0 : i32
    return %arg0, %c0_i32 : i32, i32
  }
  func.func @transform_1(%arg0: i32) -> (i32, i32) {
    %c0_i32 = arith.constant 0 : i32
    %c0_i32_0 = arith.constant 0 : i32
    %c0_i32_1 = arith.constant 0 : i32
    return %c0_i32, %c0_i32_0 : i32, i32
  }
  func.func @transform_2(%arg0: i32) -> (i32, i32) {
    %c0_i32 = arith.constant 0 : i32
    %c0_i32_0 = arith.constant 0 : i32
    %c0_i32_1 = arith.constant 0 : i32
    return %c0_i32, %c0_i32_0 : i32, i32
  }
  func.func @transform_3(%arg0: i32) -> (i32, i32) {
    %c0_i32 = arith.constant 0 : i32
    %c0_i32_0 = arith.constant 0 : i32
    %c0_i32_1 = arith.constant 0 : i32
    return %c0_i32, %c0_i32_0 : i32, i32
  }
  func.func @transform_4(%arg0: i32) -> (i32, i32) {
    %c0_i32 = arith.constant 0 : i32
    %c0_i32_0 = arith.constant 0 : i32
    return %arg0, %c0_i32 : i32, i32
  }
}

module attributes {stable_mosaic.version = 14 : i64} {
  func.func @_stage2_body(%arg0: i32, %arg1: memref<2x2048x128xf32, #tpu.memory_space<vmem>>, %arg2: memref<32x2x2048xf32, #tpu.memory_space<vmem>>, %arg3: memref<2048x128xf32, #tpu.memory_space<vmem>>) attributes {dimension_semantics = [#tpu.dimension_semantics<arbitrary>], iteration_bounds = array<i64: 5>, scalar_prefetch = 0 : i64, scratch_operands = 0 : i64, tpu.core_type = #tpu.core_type<tc>, window_params = [{transform_indices = @transform_0, window_bounds = array<i64: 2, 2048, 128>}, {transform_indices = @transform_1, window_bounds = array<i64: 32, 2, 2048>}, {transform_indices = @transform_2, window_bounds = array<i64: 2048, 128>}]} {
    %get3A = arith.constant 0 : index
    %get3A_0 = arith.constant 0 : index
    %get3A_1 = arith.constant 0 : index
    %get3A_2 = vector.load %arg1[%get3A, %get3A_0, %get3A_1] : memref<2x2048x128xf32, #tpu.memory_space<vmem>>, vector<1x2048x128xf32>
    %get3A_3 = vector.shape_cast %get3A_2 : vector<1x2048x128xf32> to vector<2048x128xf32>
    %get3A_4 = arith.constant 1 : index
    %get3A_5 = arith.constant 0 : index
    %get3A_6 = arith.constant 0 : index
    %get3A_7 = vector.load %arg1[%get3A_4, %get3A_5, %get3A_6] : memref<2x2048x128xf32, #tpu.memory_space<vmem>>, vector<1x2048x128xf32>
    %get3A_8 = vector.shape_cast %get3A_7 : vector<1x2048x128xf32> to vector<2048x128xf32>
    %add3A = arith.addf %get3A_3, %get3A_8 : vector<2048x128xf32>
    %get3A_9 = arith.constant 0 : index
    %get3A_10 = arith.constant 1 : index
    %get3A_11 = arith.constant 0 : index
    %get3A_12 = vector.load %arg2[%get3A_9, %get3A_10, %get3A_11] : memref<32x2x2048xf32, #tpu.memory_space<vmem>>, vector<32x1x2048xf32>
    %get3A_13 = vector.shape_cast %get3A_12 : vector<32x1x2048xf32> to vector<32x2048xf32>
    %reduce_sum3A = arith.constant dense<0.000000e+00> : vector<2048xf32>
    %reduce_sum3A_14 = vector.multi_reduction <add>, %get3A_13, %reduce_sum3A [0] : vector<32x2048xf32> to vector<2048xf32>
    %reshape3A = vector.shape_cast %reduce_sum3A_14 : vector<2048xf32> to vector<2048x1xf32>
    %gt3A = arith.constant 0.000000e+00 : f32
    %gt3A_15 = vector.broadcast %gt3A : f32 to vector<2048x1xf32>
    %gt3A_16 = arith.cmpf ogt, %reshape3A, %gt3A_15 : vector<2048x1xf32>
    %div3A = arith.constant 1.000000e+00 : f32
    %div3A_17 = vector.broadcast %div3A : f32 to vector<2048x1xf32>
    %div3A_18 = arith.divf %div3A_17, %reshape3A : vector<2048x1xf32>
    %jit3A = arith.constant 0.000000e+00 : f32
    %broadcast_in_dim3A = vector.broadcast %jit3A : f32 to vector<2048x1xf32>
    %select_n3A = arith.select %gt3A_16, %div3A_18, %broadcast_in_dim3A : vector<2048x1xi1>, vector<2048x1xf32>
    %mul3A = vector.broadcast %select_n3A : vector<2048x1xf32> to vector<2048x128xf32>
    %mul3A_19 = arith.mulf %add3A, %mul3A : vector<2048x128xf32>
    %swap3A = arith.constant 0 : index
    %swap3A_20 = arith.constant 0 : index
    %swap3A_21 = vector.load %arg3[%swap3A, %swap3A_20] : memref<2048x128xf32, #tpu.memory_space<vmem>>, vector<2048x128xf32>
    tpu.vector_store %arg3[%swap3A, %swap3A_20], %mul3A_19 {strides = array<i32>} : memref<2048x128xf32, #tpu.memory_space<vmem>>, vector<2048x128xf32>,
    return
  }
  func.func @transform_0(%arg0: i32) -> (i32, i32, i32) {
    %c0_i32 = arith.constant 0 : i32
    %c0_i32_0 = arith.constant 0 : i32
    %c0_i32_1 = arith.constant 0 : i32
    return %c0_i32, %arg0, %c0_i32_0 : i32, i32, i32
  }
  func.func @transform_1(%arg0: i32) -> (i32, i32, i32) {
    %c0_i32 = arith.constant 0 : i32
    %c0_i32_0 = arith.constant 0 : i32
    %c0_i32_1 = arith.constant 0 : i32
    return %c0_i32, %c0_i32_0, %arg0 : i32, i32, i32
  }
  func.func @transform_2(%arg0: i32) -> (i32, i32) {
    %c0_i32 = arith.constant 0 : i32
    %c0_i32_0 = arith.constant 0 : i32
    return %arg0, %c0_i32 : i32, i32
  }
}

module attributes {stable_mosaic.version = 14 : i64} {
  func.func @_stage3_body(%arg0: memref<2x10240x128xf32, #tpu.memory_space<vmem>>, %arg1: memref<32x2x10240xf32, #tpu.memory_space<vmem>>, %arg2: memref<10000x1xi32, #tpu.memory_space<vmem>>, %arg3: memref<1x128xf32, #tpu.memory_space<vmem>>, %arg4: memref<128x128xf32, #tpu.memory_space<vmem>>, %arg5: memref<1x128xf32, #tpu.memory_space<vmem>>, %arg6: memref<128x64xf32, #tpu.memory_space<vmem>>, %arg7: memref<1x64xf32, #tpu.memory_space<vmem>>, %arg8: memref<64x1xf32, #tpu.memory_space<vmem>>, %arg9: memref<1x1xf32, #tpu.memory_space<vmem>>, %arg10: memref<8x128xf32, #tpu.memory_space<vmem>>) attributes {dimension_semantics = [], scalar_prefetch = 0 : i64, scratch_operands = 0 : i64, tpu.core_type = #tpu.core_type<tc>} {
    %get3A = arith.constant 0 : index
    %get3A_0 = arith.constant 0 : index
    %get3A_1 = arith.constant 0 : index
    %get3A_2 = vector.load %arg0[%get3A, %get3A_0, %get3A_1] : memref<2x10240x128xf32, #tpu.memory_space<vmem>>, vector<1x10000x128xf32>
    %get3A_3 = vector.shape_cast %get3A_2 : vector<1x10000x128xf32> to vector<10000x128xf32>
    %get3A_4 = arith.constant 1 : index
    %get3A_5 = arith.constant 0 : index
    %get3A_6 = arith.constant 0 : index
    %get3A_7 = vector.load %arg0[%get3A_4, %get3A_5, %get3A_6] : memref<2x10240x128xf32, #tpu.memory_space<vmem>>, vector<1x10000x128xf32>
    %get3A_8 = vector.shape_cast %get3A_7 : vector<1x10000x128xf32> to vector<10000x128xf32>
    %add3A = arith.addf %get3A_3, %get3A_8 : vector<10000x128xf32>
    %get3A_9 = arith.constant 0 : index
    %get3A_10 = arith.constant 0 : index
    %get3A_11 = arith.constant 0 : index
    %get3A_12 = vector.load %arg1[%get3A_9, %get3A_10, %get3A_11] : memref<32x2x10240xf32, #tpu.memory_space<vmem>>, vector<32x1x10000xf32>
    %get3A_13 = vector.shape_cast %get3A_12 : vector<32x1x10000xf32> to vector<32x10000xf32>
    %reduce_sum3A = arith.constant dense<0.000000e+00> : vector<10000xf32>
    %reduce_sum3A_14 = vector.multi_reduction <add>, %get3A_13, %reduce_sum3A [0] : vector<32x10000xf32> to vector<10000xf32>
    %reshape3A = vector.shape_cast %reduce_sum3A_14 : vector<10000xf32> to vector<10000x1xf32>
    %gt3A = arith.constant 0.000000e+00 : f32
    %gt3A_15 = vector.broadcast %gt3A : f32 to vector<10000x1xf32>
    %gt3A_16 = arith.cmpf ogt, %reshape3A, %gt3A_15 : vector<10000x1xf32>
    %div3A = arith.constant 1.000000e+00 : f32
    %div3A_17 = vector.broadcast %div3A : f32 to vector<10000x1xf32>
    %div3A_18 = arith.divf %div3A_17, %reshape3A : vector<10000x1xf32>
    %jit3A = arith.constant 0.000000e+00 : f32
    %broadcast_in_dim3A = vector.broadcast %jit3A : f32 to vector<10000x1xf32>
    %select_n3A = arith.select %gt3A_16, %div3A_18, %broadcast_in_dim3A : vector<10000x1xi1>, vector<10000x1xf32>
    %mul3A = vector.broadcast %select_n3A : vector<10000x1xf32> to vector<10000x128xf32>
    %mul3A_19 = arith.mulf %add3A, %mul3A : vector<10000x128xf32>
    %get3A_20 = arith.constant 0 : index
    %get3A_21 = arith.constant 0 : index
    %get3A_22 = vector.load %arg3[%get3A_20, %get3A_21] : memref<1x128xf32, #tpu.memory_space<vmem>>, vector<1x128xf32>
    %add3A_23 = vector.broadcast %get3A_22 : vector<1x128xf32> to vector<10000x128xf32>
    %add3A_24 = arith.addf %mul3A_19, %add3A_23 : vector<10000x128xf32>
    %get3A_25 = arith.constant 0 : index
    %get3A_26 = arith.constant 0 : index
    %get3A_27 = vector.load %arg4[%get3A_25, %get3A_26] : memref<128x128xf32, #tpu.memory_space<vmem>>, vector<128x128xf32>
    %dot_general3A = arith.constant dense<0.000000e+00> : vector<10000x128xf32>
    %dot_general3A_28 = tpu.matmul %add3A_24, %get3A_27, %dot_general3A {dimension_numbers = #tpu.dot_dimension_numbers<[1], [0], [0], [1], [0, 0, 1, 1], [], []>, transpose_lhs_hint = false} : vector<10000x128xf32>, vector<128x128xf32>, vector<10000x128xf32> -> vector<10000x128xf32>
    %get3A_29 = arith.constant 0 : index
    %get3A_30 = arith.constant 0 : index
    %get3A_31 = vector.load %arg5[%get3A_29, %get3A_30] : memref<1x128xf32, #tpu.memory_space<vmem>>, vector<1x128xf32>
    %add3A_32 = vector.broadcast %get3A_31 : vector<1x128xf32> to vector<10000x128xf32>
    %add3A_33 = arith.addf %dot_general3A_28, %add3A_32 : vector<10000x128xf32>
    %get3A_34 = arith.constant 0 : index
    %get3A_35 = arith.constant 0 : index
    %get3A_36 = vector.load %arg6[%get3A_34, %get3A_35] : memref<128x64xf32, #tpu.memory_space<vmem>>, vector<128x64xf32>
    %dot_general3A_37 = arith.constant dense<0.000000e+00> : vector<10000x64xf32>
    %dot_general3A_38 = tpu.matmul %add3A_33, %get3A_36, %dot_general3A_37 {dimension_numbers = #tpu.dot_dimension_numbers<[1], [0], [0], [1], [0, 0, 1, 1], [], []>, transpose_lhs_hint = false} : vector<10000x128xf32>, vector<128x64xf32>, vector<10000x64xf32> -> vector<10000x64xf32>
    %get3A_39 = arith.constant 0 : index
    %get3A_40 = arith.constant 0 : index
    %get3A_41 = vector.load %arg7[%get3A_39, %get3A_40] : memref<1x64xf32, #tpu.memory_space<vmem>>, vector<1x64xf32>
    %add3A_42 = vector.broadcast %get3A_41 : vector<1x64xf32> to vector<10000x64xf32>
    %add3A_43 = arith.addf %dot_general3A_38, %add3A_42 : vector<10000x64xf32>
    %tanh3A = math.tanh %add3A_43 : vector<10000x64xf32>
    %get3A_44 = arith.constant 0 : index
    %get3A_45 = arith.constant 0 : index
    %get3A_46 = vector.load %arg8[%get3A_44, %get3A_45] : memref<64x1xf32, #tpu.memory_space<vmem>>, vector<64x1xf32>
    %dot_general3A_47 = arith.constant dense<0.000000e+00> : vector<10000x1xf32>
    %dot_general3A_48 = tpu.matmul %tanh3A, %get3A_46, %dot_general3A_47 {dimension_numbers = #tpu.dot_dimension_numbers<[1], [0], [0], [1], [0, 0, 1, 1], [], []>, transpose_lhs_hint = false} : vector<10000x64xf32>, vector<64x1xf32>, vector<10000x1xf32> -> vector<10000x1xf32>
    %get3A_49 = arith.constant 0 : index
    %get3A_50 = arith.constant 0 : index
    %get3A_51 = vector.load %arg9[%get3A_49, %get3A_50] : memref<1x1xf32, #tpu.memory_space<vmem>>, vector<1x1xf32>
    %add3A_52 = vector.broadcast %get3A_51 : vector<1x1xf32> to vector<10000x1xf32>
    %add3A_53 = arith.addf %dot_general3A_48, %add3A_52 : vector<10000x1xf32>
    %get3A_54 = arith.constant 0 : index
    %get3A_55 = arith.constant 0 : index
    %get3A_56 = vector.load %arg2[%get3A_54, %get3A_55] : memref<10000x1xi32, #tpu.memory_space<vmem>>, vector<10000x1xi32>
    %iota3A = tpu.iota {dimensions = array<i32: 1>} : vector<1x8xi32>
    %eq3A = vector.broadcast %get3A_56 : vector<10000x1xi32> to vector<10000x8xi32>
    %eq3A_57 = vector.broadcast %iota3A : vector<1x8xi32> to vector<10000x8xi32>
    %eq3A_58 = arith.cmpi eq, %eq3A, %eq3A_57 : vector<10000x8xi32>
    %convert_element_type3A = arith.extui %eq3A_58 : vector<10000x8xi1> to vector<10000x8xi32>
    %convert_element_type3A_59 = arith.sitofp %convert_element_type3A : vector<10000x8xi32> to vector<10000x8xf32>
    %jit3A_60 = arith.constant -1.000000e+30 : f32
    %broadcast_in_dim3A_61 = vector.shape_cast %add3A_53 : vector<10000x1xf32> to vector<10000x1xf32>
    %broadcast_in_dim3A_62 = vector.broadcast %broadcast_in_dim3A_61 : vector<10000x1xf32> to vector<10000x8xf32>
    %broadcast_in_dim3A_63 = vector.broadcast %jit3A_60 : f32 to vector<10000x8xf32>
    %select_n3A_64 = arith.select %eq3A_58, %broadcast_in_dim3A_62, %broadcast_in_dim3A_63 : vector<10000x8xi1>, vector<10000x8xf32>
    %reduce_max3A = arith.constant dense<0xFF800000> : vector<8xf32>
    %reduce_max3A_65 = vector.multi_reduction <maximumf>, %select_n3A_64, %reduce_max3A [0] : vector<10000x8xf32> to vector<8xf32>
    %broadcast_in_dim3A_66 = vector.shape_cast %reduce_max3A_65 : vector<8xf32> to vector<1x8xf32>
    %mul3A_67 = vector.broadcast %broadcast_in_dim3A_66 : vector<1x8xf32> to vector<10000x8xf32>
    %mul3A_68 = arith.mulf %convert_element_type3A_59, %mul3A_67 : vector<10000x8xf32>
    %reduce_sum3A_69 = arith.constant dense<0.000000e+00> : vector<10000xf32>
    %reduce_sum3A_70 = vector.multi_reduction <add>, %mul3A_68, %reduce_sum3A_69 [1] : vector<10000x8xf32> to vector<10000xf32>
    %broadcast_in_dim3A_71 = vector.shape_cast %reduce_sum3A_70 : vector<10000xf32> to vector<10000x1xf32>
    %sub3A = arith.subf %add3A_53, %broadcast_in_dim3A_71 : vector<10000x1xf32>
    %exp3A = math.exp %sub3A : vector<10000x1xf32>
    %mul3A_72 = vector.broadcast %exp3A : vector<10000x1xf32> to vector<10000x8xf32>
    %mul3A_73 = arith.mulf %convert_element_type3A_59, %mul3A_72 : vector<10000x8xf32>
    %reduce_sum3A_74 = arith.constant dense<0.000000e+00> : vector<8xf32>
    %reduce_sum3A_75 = vector.multi_reduction <add>, %mul3A_73, %reduce_sum3A_74 [0] : vector<10000x8xf32> to vector<8xf32>
    %broadcast_in_dim3A_76 = vector.shape_cast %reduce_sum3A_75 : vector<8xf32> to vector<1x8xf32>
    %mul3A_77 = vector.broadcast %broadcast_in_dim3A_76 : vector<1x8xf32> to vector<10000x8xf32>
    %mul3A_78 = arith.mulf %convert_element_type3A_59, %mul3A_77 : vector<10000x8xf32>
    %reduce_sum3A_79 = arith.constant dense<0.000000e+00> : vector<10000xf32>
    %reduce_sum3A_80 = vector.multi_reduction <add>, %mul3A_78, %reduce_sum3A_79 [1] : vector<10000x8xf32> to vector<10000xf32>
    %broadcast_in_dim3A_81 = vector.shape_cast %reduce_sum3A_80 : vector<10000xf32> to vector<10000x1xf32>
    %add3A_82 = arith.constant 1.000000e-16 : f32
    %add3A_83 = vector.broadcast %add3A_82 : f32 to vector<10000x1xf32>
    %add3A_84 = arith.addf %broadcast_in_dim3A_81, %add3A_83 : vector<10000x1xf32>
    %div3A_85 = arith.divf %exp3A, %add3A_84 : vector<10000x1xf32>
    %mul3A_86 = vector.broadcast %div3A_85 : vector<10000x1xf32> to vector<10000x8xf32>
    %mul3A_87 = arith.mulf %convert_element_type3A_59, %mul3A_86 : vector<10000x8xf32>
    %dot_general3A_88 = arith.constant dense<0.000000e+00> : vector<8x128xf32>
    %dot_general3A_89 = tpu.matmul %mul3A_87, %add3A_33, %dot_general3A_88 {dimension_numbers = #tpu.dot_dimension_numbers<[0], [0], [1], [1], [0, 1, 1, 1], [], []>, transpose_lhs_hint = false} : vector<10000x8xf32>, vector<10000x128xf32>, vector<8x128xf32> -> vector<8x128xf32>
    %swap3A = arith.constant 0 : index
    %swap3A_90 = arith.constant 0 : index
    %swap3A_91 = vector.load %arg10[%swap3A, %swap3A_90] : memref<8x128xf32, #tpu.memory_space<vmem>>, vector<8x128xf32>
    tpu.vector_store %arg10[%swap3A, %swap3A_90], %dot_general3A_89 {strides = array<i32>} : memref<8x128xf32, #tpu.memory_space<vmem>>, vector<8x128xf32>,
    return
  }
}

</mosaic_0001>

<sc_bundles>
// kernel: kernel.11.cloned.1.call-start
scs
__scs_entry_jumppad:
0x0: {  	(pc) =	sbr.rel $0x88, $3  }
0x1: {  	(tag) =	ssettag $0x0;
	lr =	simm.s32 $0x1  }
0x2: {  	[smem:$0x3F92] =	sst lr;
	_ =	strace $0xD0000000  }
0x3: {  	_ = 	snop  }
0x4: {  	_ = 	snop  }
0x5: {  	_ = 	snop  }
0x6: {  	_ = 	snop  }
0x7: {  	_ = 	snop  }
__scs_overlays_trampoline_lowered:
0x8: {  	[smem:$0x3FA1] =	sst s0  }
0x9: {  	[smem:$0x3FA2] =	sst s1  }
0xa: {  	[smem:$0x3FA3] =	sst s2  }
0xb: {  	[smem:$0x3FA4] =	sst s3  }
0xc: {  	[smem:$0x3FA5] =	sst s4  }
0xd: {  	[smem:$0x3FA6] =	sst s5  }
0xe: {  	[smem:$0x3FA7] =	sst s6  }
0xf: {  	[smem:$0x3FA8] =	sst s7  }
0x10: {  	[smem:$0x3FA9] =	sst s8  }
0x11: {  	[smem:$0x3FAA] =	sst s9;
	s0 =	simm.s32 @!p0 $0x0  }
0x12: {  	s1 =	sld [smem:$0x3F90];
	s0 =	simm.s32 @p0 $0x1  }
0x13: {  	[smem:$0x3FAB] =	sst s0;
	s0 =	simm.s32 @!p1 $0x0  }
0x14: {  	s2 =	sld [smem:$0x3F8F];
	s0 =	simm.s32 @p1 $0x1  }
0x15: {  	[smem:$0x3FAC] =	sst s0;
	s0 =	simm.s32 @!p2 $0x0  }
0x16: {  	s3 =	sld [smem:$0x3FDB];
	s0 =	simm.s32 @p2 $0x1  }
0x17: {  	s4 =	simm.s32 $0x1BF5;
	[smem:$0x3FAE] =	sst s0  }
0x18: {  	s0 =	sld [smem:$0x3F91];
	_ =	swait.ge [sflag:s4], $0x0  }
0x19: {  	s7 =	sld [smem:$0x3F92]  }
0x1a: {  	s8 =	sadd.s32 $0xFFFFE003, lr  }
0x1b: {  	s9 =	sadd.s32 $0xFFFFFEF7, lr;
	s5 =	simm.s32 $0xFFFFFFFF;
	p2 =	slt.u32 s8, $0xFFFFF086  }
0x1c: {  	p1 =	slt.u32 s9, $0xF7A;
	s5 =	simm.s32 @!p2 $0x0  }
0x1d: {  	s5 =	simm.s32 @p1 $0x1;
	p0 =	seq.s32 s7, s2  }
0x1e: {  	s7 =	smul.u32 @!p0 $0xF7A, s2;
	p2 =	seq.s32 @!p0 s5, $0x0  }
0x1f: {  	s9 =	smul.u32 $0xF7A, s1;
	s8 =	simm.s32 @!p0 $0x1BF5;
	p2 =	por !p2, p0  }
0x20: {  	[sflag:s8] =	ssyncset.s32 @!p0 $0xFFFFF086;
	s6 =	sadd.s32 @!p0 s3, s7;
	s7 =	simm.s32 @!p0 $0x108  }
0x21: {  	s3 =	sadd.s32 s3, s9;
	s6 =	sadd.s32 @!p0 $0x88, s6;
	s7 =	simm.s32 @p2 $0x1082  }
0x22: {  	[simem:s7], [sflag:s8] =	dma.local @!p0 [hbm:s6], $0xF7A  }
0x23: {  	s9 =	sor.u32 $0xD0000000, s2;
	s6 =	simm.s32 $0x108;
	_ =	swait.ge @!p0 [sflag:s8], $0x0  }
0x24: {  	s3 =	sadd.s32 $0x88, s3;
	s6 =	simm.s32 @!p1 $0x1082;
	[sflag:s4] =	ssyncset.s32 $0xFFFFF086  }
0x25: {  	[simem:s6], [sflag:s4] =	dma.local [hbm:s3], $0xF7A  }
0x26: {  	[smem:$0x3F92] =	sst s1;
	(tag) =	ssettag s2;
	_ =	strace s9  }
0x27: {  	s1 =	sld [smem:$0x3FA2]  }
0x28: {  	s2 =	sld [smem:$0x3FA3]  }
0x29: {  	s4 =	sld [smem:$0x3FA5]  }
0x2a: {  	p0 =	seq.s32 s5, $0x0;
	s5 =	sld [smem:$0x3FA6]  }
0x2b: {  	s6 =	sld [smem:$0x3FA7]  }
0x2c: {  	s7 =	sld [smem:$0x3FA8]  }
0x2d: {  	s3 =	simm.s32 $0x108;
	s8 =	sld [smem:$0x3FA9]  }
0x2e: {  	s3 =	simm.s32 @!p0 $0x1082;
	s9 =	sld [smem:$0x3FAA]  }
0x2f: {  	lr =	sadd.s32 s0, s3;
	s0 =	sld [smem:$0x3FA1]  }
0x30: {  	s3 =	sld [smem:$0x3FA4]  }
0x31: {  	[smem:$0x3FAD] =	sst s10  }
0x32: {  	s10 =	sld [smem:$0x3FAB];
	_ =	sdelay $0x3  }
0x33: {  	p0 =	seq.s32 s10, $0x1;
	s10 =	sld [smem:$0x3FAD];
	_ =	sdelay $0x3  }
0x34: {  	[smem:$0x3FAD] =	sst s10  }
0x35: {  	s10 =	sld [smem:$0x3FAC];
	_ =	sdelay $0x3  }
0x36: {  	p1 =	seq.s32 s10, $0x1;
	s10 =	sld [smem:$0x3FAD];
	_ =	sdelay $0x3  }
0x37: {  	[smem:$0x3FAD] =	sst s10  }
0x38: {  	s10 =	sld [smem:$0x3FAE]  }
0x39: {  	_ = 	snop;
	(pc) =	sbr.ind lr, $3  }
0x3a: {  	_ = 	snop  }
0x3b: {  	_ = 	snop  }
0x3c: {  	p2 =	seq.s32 s10, $0x1;
	s10 =	sld [smem:$0x3FAD]  }
0x3d: {  	_ =	shalt  }
0x3e: {  	_ =	shalt  }
0x3f: {  	_ =	shalt  }
0x40: {  	_ =	shalt  }
0x41: {  	_ =	shalt  }
0x42: {  	_ =	shalt  }
0x43: {  	_ =	shalt  }
0x44: {  	_ =	shalt  }
0x45: {  	_ =	shalt  }
0x46: {  	_ =	shalt  }
0x47: {  	_ =	shalt  }
0x48: {  	_ =	shalt  }
0x49: {  	_ =	shalt  }
0x4a: {  	_ =	shalt  }
0x4b: {  	_ =	shalt  }
0x4c: {  	_ =	shalt  }
0x4d: {  	_ =	shalt  }
0x4e: {  	_ =	shalt  }
0x4f: {  	_ =	shalt  }
0x50: {  	_ =	shalt  }
0x51: {  	_ =	shalt  }
0x52: {  	_ =	shalt  }
0x53: {  	_ =	shalt  }
0x54: {  	_ =	shalt  }
0x55: {  	_ =	shalt  }
0x56: {  	_ =	shalt  }
0x57: {  	_ =	shalt  }
0x58: {  	_ =	shalt  }
0x59: {  	_ =	shalt  }
0x5a: {  	_ =	shalt  }
0x5b: {  	_ =	shalt  }
0x5c: {  	_ =	shalt  }
0x5d: {  	_ =	shalt  }
0x5e: {  	_ =	shalt  }
0x5f: {  	_ =	shalt  }
0x60: {  	_ =	shalt  }
0x61: {  	_ =	shalt  }
0x62: {  	_ =	shalt  }
0x63: {  	_ =	shalt  }
0x64: {  	_ =	shalt  }
0x65: {  	_ =	shalt  }
0x66: {  	_ =	shalt  }
0x67: {  	_ =	shalt  }
0x68: {  	_ =	shalt  }
0x69: {  	_ =	shalt  }
0x6a: {  	_ =	shalt  }
0x6b: {  	_ =	shalt  }
0x6c: {  	_ =	shalt  }
0x6d: {  	_ =	shalt  }
0x6e: {  	_ =	shalt  }
0x6f: {  	_ =	shalt  }
0x70: {  	_ =	shalt  }
0x71: {  	_ =	shalt  }
0x72: {  	_ =	shalt  }
0x73: {  	_ =	shalt  }
0x74: {  	_ =	shalt  }
0x75: {  	_ =	shalt  }
0x76: {  	_ =	shalt  }
0x77: {  	_ =	shalt  }
0x78: {  	_ =	shalt  }
0x79: {  	_ =	shalt  }
0x7a: {  	_ =	shalt  }
0x7b: {  	_ =	shalt  }
0x7c: {  	_ =	shalt  }
0x7d: {  	_ =	shalt  }
0x7e: {  	_ =	shalt  }
0x7f: {  	_ =	shalt  }
0x80: {  	_ =	shalt  }
0x81: {  	_ =	shalt  }
0x82: {  	_ =	shalt  }
0x83: {  	_ =	shalt  }
0x84: {  	_ =	shalt  }
0x85: {  	_ =	shalt  }
0x86: {  	_ =	shalt  }
0x87: {  	_ =	shalt  }
.Lfunc_end0:
.L_simem_size_0:
called_computation.1_lowered:
.L_overlay_start_0:
0x88: {  	s2 =	sld [smem:$0x3FD9]  }
0x89: {  	s3 =	sld [smem:$0x3FFE];
	_ =	sdelay $0x1  }
0x8a: {  	s1 =	srdreg.scid  }
0x8b: {  	s0 =	sand.u32 $0x1, s1  }
0x8c: {  	s16 =	sshll.u32 s0, $0xA;
	s2 =	sadd.s32 s3, s2  }
0x8d: {  	s2 =	sadd.s32 s2, s16  }
0x8e: {  	[smem:$0x3FB9] =	sst s2  }
0x8f: {  	_ = 	snop  }
0x90: {  	(tm) =	ssettm $0x1  }
0x91: {  	s17 =	sld [smem:$0x3FFB];
	_ =	sdelay $0x3  }
0x92: {  	_ =	strace s17  }
0x93: {  	s2 =	sld [smem:$0x3FFC];
	_ =	sdelay $0x3  }
0x94: {  	_ =	strace s2  }
0x95: {  	s2 =	sld [smem:$0x3FFD];
	_ =	sdelay $0x3  }
0x96: {  	_ =	strace s2  }
0x97: {  	_ =	strace $0x8FFFFFFF  }
0x98: {  	s18 =	sld [smem:$0x3FDB];
	_ =	sdelay $0x1  }
0x99: {  	s19 =	simm.s32 $_scs_section_size  }
0x9a: {  	s4 =	simm.s32 $_size__tile_overlayer_lowered;
	s5 =	simm.s32 $_tile_overlayer_lowered  }
0x9b: {  	s22 =	simm.s32 $0x1BFF;
	s21 =	sshll.u32 s5, $0x1;
	s2 =	sadd.s32 s19, s18  }
0x9c: {  	s6 =	simm.s32 $0x0;
	s20 =	sshll.u32 s4, $0x1;
	s4 =	sadd.s32 s21, s2  }
0x9d: {  	[timem:s6], [sflag:s22] =	dma.local [hbm:s4], s20  }
0x9e: {  	_ =	swait.ge [sflag:s22], s20  }
0x9f: {  	s3 =	ssub.s32 $0x0, s20;
	[sflag:s22] =	ssyncset.done $0x0  }
0xa0: {  	[sflag:s22] =	ssyncadd.s32 s3;
	_ =	sdelay $0x1  }
0xa1: {  	s23 =	simm.s32 $0x1B8B  }
0xa2: {  	_ =	swait.ge [sflag:s23], $0x1  }
0xa3: {  	[sflag:s23] =	ssyncset.done $0x0  }
0xa4: {  	s25 =	simm.s32 $0x1B8E;
	s24 =	sld [smem:$0x3FFE];
	[sflag:s23] =	ssyncadd.s32 $0xFFFFFFFF  }
0xa5: {  	s26 =	simm.s32 $execute0_lowered;
	[smem:$0x3FD2] =	sst s25  }
0xa6: {  	s4 =	sshll.u32 s26, $0x1;
	_ =	strace $0x80000046;
	[dreg:$0x1] =	wrdreg $0xFFFFFFFF  }
0xa7: {  	s28 =	simm.s32 $_size_execute0_lowered;
	s2 =	sadd.s32 s2, s4;
	[dreg:$0x0] =	wrdreg $0x0  }
0xa8: {  	s4 =	sshll.u32 s28, $0x1;
	[dreg:$0x2] =	wrdreg s2  }
0xa9: {  	[dreg:$0x3] =	wrdreg s4  }
0xaa: {  	[dreg:$0x4] =	wrdreg $0xC0  }
0xab: {  	_ =	task [dreg:s6], $0x5FFFF  }
0xac: {  	[dreg:$0x1] =	wrdreg $0xFFFFFFFF  }
0xad: {  	[dreg:$0x0] =	wrdreg $0x60  }
0xae: {  	[dreg:$0x2] =	wrdreg s24  }
0xaf: {  	[dreg:$0x3] =	wrdreg $0x0  }
0xb0: {  	[dreg:$0x4] =	wrdreg $0xA  }
0xb1: {  	_ =	task.clear_ibuf [dreg:s6], $0x5FFFF;
	_ =	strace $0x90000046  }
0xb2: {  	s29 =	simm.s32 $0xA;
	_ =	strace $0x80000048  }
0xb3: {  	_ =	swait.ge [sflag:s29], $0x1  }
0xb4: {  	[sflag:s29] =	ssyncadd.s32 $0xFFFFFFFF  }
0xb5: {  	_ =	strace $0x90000048  }
0xb6: {  	_ =	sfence  }
0xb7: {  	s30 =	sld [smem:$0x0];
	_ =	sdelay $0x2  }
0xb8: {  	s31 =	sshll.u32 s1, $0xD;
	s1 =	sshrl.u32 s1, $0x2  }
0xb9: {  	s3 =	sand.u32 $0x4000, s31;
	s1 =	sadd.s32 s1, s30  }
0xba: {  	s0 =	sor.u32 s3, s0;
	s1 =	sshll.u32 s1, $0x11  }
0xbb: {  	s0 =	sor.u32 s1, s0  }
0xbc: {  	s0 =	sadd.s32 $0x8F2B, s0  }
0xbd: {  	[sflag:s0] =	ssyncadd.remote.s32 $0x1  }
0xbe: {  	_ =	sfence.sel $0xFFFF  }
0xbf: {  	[dreg:$0x0] =	wrdreg $0xFFFFFFFF;
	(pc) =	sbr.abs _section_cstart, $3  }
0xc0: {  	[dreg:$0x1] =	wrdreg $0xFFFFFFFF  }
0xc1: {  	_ =	task.clear_ibuf [dreg:s6], $0x2FFFF;
	_ =	strace $0x9FFFFFFF  }
0xc2: {  	(tm) =	ssettm $0x7FFFFFFF  }
0xc3: {  	_ =	shalt  }
tec
execute0_lowered:
.L_overlay_start_1:
0x0: {  	(tag) =	ssettag $0x1  }
0x1: {  	s0 =	rddreg [dreg:$0x0]  }
0x2: {  	s1 =	rddreg [dreg:$0x1];
	s3 =	simm.s32 $0x0;
	s2 =	srdreg.scid  }
0x3: {  	s10 =	stileid.u32;
	[smem:$0x7FF] =	sst s3  }
0x4: {  	s2 =	sand.u32 $0x1, s2;
	s8 =	smul.u32 $0x14000, s10;
	s4 =	sadd.s32 $0x37000, s0  }
0x5: {  	s5 =	sadd.s32 $0x3400, s0;
	s6 =	smul.u32 $0x140000, s2;
	s7 =	sshll.u32 s2, $0x4  }
0x6: {  	_ =	strace $0x80000047;
	s2 =	ssub.s32 $0x2, s2;
	s7 =	sor.u32 s10, s7  }
0x7: {  	s14 =	sshrl.u32 s2, $0x1;
	s10 =	smul.u32 $0x50000, s10;
	s6 =	sadd.s32 s8, s6  }
0x8: {  	s9 =	sshll.u32 s7, $0xC;
	s2 =	ssub.s32 s2, s14;
	s6 =	sshrl.u32 s6, $0x3  }
0x9: {  	s9 =	sadd.s32 s9, s0;
	s15 =	sshrl.u32 s10, $0x2;
	s16 =	smax.u32 s2, $0x1  }
0xa: {  	s0 =	sadd.s32 s6, s0;
	s6 =	smul.u32 $0x2710, s7;
	s7 =	sadd.s32 $0x17000, s9  }
0xb: {  	s9 =	sadd.s32 s15, s1;
	[dreg:$0x4] =	wrdreg s16;
	s0 =	sadd.s32 $0x5E200, s0  }
0xc: {  	s17 =	sadd.s32 $0x1400, s9;
	[dreg:$0x3] =	wrdreg s0  }
0xd: {  	s28 =	simm.s32 $0x14000;
	s18 =	sadd.s32 $0x2800, s9;
	[dreg:$0x5] =	wrdreg s17  }
0xe: {  	s29 =	simm.s32 $0x3;
	s19 =	sadd.s32 $0x3C00, s9;
	[dreg:$0x6] =	wrdreg s18  }
0xf: {  	s30 =	simm.s32 $0x15400;
	s20 =	sadd.s32 $0x5000, s9;
	[dreg:$0x7] =	wrdreg s19  }
0x10: {  	s31 =	simm.s32 $0x28;
	s21 =	sadd.s32 $0x6400, s9;
	[dreg:$0x8] =	wrdreg s20  }
0x11: {  	s11 =	simm.s32 $0x1BC00;
	s22 =	sadd.s32 $0x7800, s9;
	[dreg:$0x9] =	wrdreg s21  }
0x12: {  	s12 =	simm.s32 $0x1;
	s23 =	sadd.s32 $0x8C00, s9;
	[dreg:$0xa] =	wrdreg s22  }
0x13: {  	s13 =	simm.s32 $0x0;
	s24 =	sadd.s32 $0xA000, s9;
	[dreg:$0xb] =	wrdreg s23  }
0x14: {  	s8 =	simm.s32 $0x1A800;
	s25 =	sadd.s32 $0xB400, s9;
	[dreg:$0xc] =	wrdreg s24  }
0x15: {  	s2 =	simm.s32 $0x14028;
	s26 =	sadd.s32 $0xC800, s9;
	[dreg:$0xd] =	wrdreg s25  }
0x16: {  	s10 =	simm.s32 $0x14050;
	[dreg:$0xe] =	wrdreg s26;
	s21 =	sadd.s32 $0xDC00, s9  }
0x17: {  	s22 =	sadd.s32 $0xF000, s9;
	s23 =	sadd.s32 $0x10400, s9;
	s24 =	sadd.s32 $0x11800, s9  }
0x18: {  	v0 =	vimm.f32 $0.0e+00;
	s25 =	sadd.s32 $0x12C00, s9;
	s26 =	simm.s32 $0x1E400;
	s0 =	simm.s32 $0x19400  }
.LBB2_1:
0x19: {  	s14 =	sand.u32 $0x7E00, s3  }
0x1a: {  	s15 =	sand.u32 $0x70, s3;
	s16 =	sshrl.u32 s14, $0x2  }
0x1b: {  	s14 =	simm.s32 $0x40;
	s16 =	sor.u32 s15, s16;
	s15 =	simm.s32 $0x0  }
.LBB2_2:
0x1c: {  	p0 =	sne.s32 s14, $0x4FC0  }
0x1d: {  	[tilespmem:s16+$0x1E400] =	vst v0;
	s15 =	sadd.s32 $0x10, s15;
	s16 =	smov.u32 s14;
	s14 =	sadd.s32 $0x40, s14  }
.Ltmp0:
0x1e: {  	(pc) =	sbr.rel @p0 .LBB2_2-.Ltmp0, $4  }
0x1f: {  	_ = 	snop  }
0x20: {  	s16 =	sand.u32 $0x7E00, s16  }
0x21: {  	s17 =	sand.u32 $0x70, s15;
	s16 =	sshrl.u32 s16, $0x2  }
0x22: {  	s16 =	sor.u32 s17, s16  }
0x23: {  	[tilespmem:s16+$0x1E400] =	vst v0  }
0x24: {  	[spmem:s9] =	stream.linear.scatter [tilespmem:s26], [sflag:$0x2], $0x1400, $0x38;
	[tilespmem:$0x1F800] =	vst v63  }
0x25: {  	s14 =	rddreg [dreg:$0x5]  }
0x26: {  	[spmem:s14] =	stream.linear.scatter [tilespmem:s26], [sflag:$0x2], $0x1400, $0x38;
	[tilespmem:$0x1F800] =	vst v63  }
0x27: {  	s18 =	rddreg [dreg:$0x6]  }
0x28: {  	[spmem:s18] =	stream.linear.scatter [tilespmem:s26], [sflag:$0x2], $0x1400, $0x38;
	[tilespmem:$0x1F800] =	vst v63  }
0x29: {  	s19 =	rddreg [dreg:$0x7]  }
0x2a: {  	[spmem:s19] =	stream.linear.scatter [tilespmem:s26], [sflag:$0x2], $0x1400, $0x38;
	[tilespmem:$0x1F800] =	vst v63  }
0x2b: {  	s20 =	rddreg [dreg:$0x8]  }
0x2c: {  	[spmem:s20] =	stream.linear.scatter [tilespmem:s26], [sflag:$0x2], $0x1400, $0x38;
	[tilespmem:$0x1F800] =	vst v63  }
0x2d: {  	s15 =	rddreg [dreg:$0x9]  }
0x2e: {  	[spmem:s15] =	stream.linear.scatter [tilespmem:s26], [sflag:$0x2], $0x1400, $0x38;
	[tilespmem:$0x1F800] =	vst v63  }
0x2f: {  	s16 =	rddreg [dreg:$0xa]  }
0x30: {  	[spmem:s16] =	stream.linear.scatter [tilespmem:s26], [sflag:$0x2], $0x1400, $0x38;
	[tilespmem:$0x1F800] =	vst v63  }
0x31: {  	s17 =	rddreg [dreg:$0xb]  }
0x32: {  	[spmem:s17] =	stream.linear.scatter [tilespmem:s26], [sflag:$0x2], $0x1400, $0x38;
	[tilespmem:$0x1F800] =	vst v63  }
0x33: {  	s18 =	rddreg [dreg:$0xc]  }
0x34: {  	[spmem:s18] =	stream.linear.scatter [tilespmem:s26], [sflag:$0x2], $0x1400, $0x38;
	[tilespmem:$0x1F800] =	vst v63  }
0x35: {  	s19 =	rddreg [dreg:$0xd]  }
0x36: {  	[spmem:s19] =	stream.linear.scatter [tilespmem:s26], [sflag:$0x2], $0x1400, $0x38;
	[tilespmem:$0x1F800] =	vst v63  }
0x37: {  	s20 =	rddreg [dreg:$0xe]  }
0x38: {  	[spmem:s20] =	stream.linear.scatter [tilespmem:s26], [sflag:$0x2], $0x1400, $0x38;
	[tilespmem:$0x1F800] =	vst v63  }
0x39: {  	_ = 	snop  }
0x3a: {  	[spmem:s21] =	stream.linear.scatter [tilespmem:s26], [sflag:$0x2], $0x1400, $0x38;
	[tilespmem:$0x1F800] =	vst v63  }
0x3b: {  	_ = 	snop  }
0x3c: {  	[spmem:s22] =	stream.linear.scatter [tilespmem:s26], [sflag:$0x2], $0x1400, $0x38;
	[tilespmem:$0x1F800] =	vst v63  }
0x3d: {  	_ = 	snop  }
0x3e: {  	[spmem:s23] =	stream.linear.scatter [tilespmem:s26], [sflag:$0x2], $0x1400, $0x38;
	[tilespmem:$0x1F800] =	vst v63  }
0x3f: {  	_ = 	snop  }
0x40: {  	[spmem:s24] =	stream.linear.scatter [tilespmem:s26], [sflag:$0x2], $0x1400, $0x38;
	[tilespmem:$0x1F800] =	vst v63  }
0x41: {  	p1 =	por $0x1, $0x1;
	s14 =	simm.s32 $0x0  }
0x42: {  	[spmem:s25] =	stream.linear.scatter [tilespmem:s26], [sflag:$0x2], $0x1400, $0x38;
	[tilespmem:$0x1F800] =	vst v63  }
.LBB2_4:
0x43: {  	s15 =	smul.u32 $0x1388, s14;
	_ =	sdelay $0x1  }
0x44: {  	s15 =	sadd.s32 s6, s15  }
0x45: {  	s15 =	sshrl.u32 s15, $0x3  }
0x46: {  	s15 =	sadd.s32 s5, s15  }
0x47: {  	[tilespmem:s28], [sflag:$0x3] =	stream.linear.gather [hbm4b:s15+s3], $0x1388, $0x38;
	[tilespmem:$0x1F800] =	vst v63  }
0x48: {  	_ =	swait.ge [sflag:s29], $0x1388  }
0x49: {  	s18 =	sshll.u32 s14, $0xB;
	[sflag:s29] =	ssyncset.done $0x0  }
0x4a: {  	s14 =	sadd.s32 s18, s7;
	[sflag:s29] =	ssyncadd.s32 $0xFFFFEC78  }
0x4b: {  	[tilespmem:s30], [sflag:$0x3] =	stream.linear.gather [hbm4b:s14+s3], $0x4000, $0x38;
	[tilespmem:$0x1F800] =	vst v63  }
0x4c: {  	_ =	swait.ge [sflag:s29], $0x4000  }
0x4d: {  	[sflag:s29] =	ssyncset.done $0x0  }
0x4e: {  	s14 =	simm.s32 @p1 $0x2;
	[sflag:s29] =	ssyncadd.s32 $0xFFFFC000  }
0x4f: {  	_ =	swait.ge @p1 [sflag:s14], $0x1400  }
0x50: {  	[sflag:s14] =	ssyncset.done @p1 $0x0  }
0x51: {  	[sflag:s14] =	ssyncadd.s32 @p1 $0xFFFFEC00  }
0x52: {  	_ =	swait.ge @p1 [sflag:s14], $0x1400  }
0x53: {  	[sflag:s14] =	ssyncset.done @p1 $0x0  }
0x54: {  	[sflag:s14] =	ssyncadd.s32 @p1 $0xFFFFEC00  }
0x55: {  	_ =	swait.ge @p1 [sflag:s14], $0x1400  }
0x56: {  	[sflag:s14] =	ssyncset.done @p1 $0x0  }
0x57: {  	[sflag:s14] =	ssyncadd.s32 @p1 $0xFFFFEC00  }
0x58: {  	_ =	swait.ge @p1 [sflag:s14], $0x1400  }
0x59: {  	[sflag:s14] =	ssyncset.done @p1 $0x0  }
0x5a: {  	[sflag:s14] =	ssyncadd.s32 @p1 $0xFFFFEC00  }
0x5b: {  	_ =	swait.ge @p1 [sflag:s14], $0x1400  }
0x5c: {  	[sflag:s14] =	ssyncset.done @p1 $0x0  }
0x5d: {  	[sflag:s14] =	ssyncadd.s32 @p1 $0xFFFFEC00  }
0x5e: {  	_ =	swait.ge @p1 [sflag:s14], $0x1400  }
0x5f: {  	[sflag:s14] =	ssyncset.done @p1 $0x0  }
0x60: {  	[sflag:s14] =	ssyncadd.s32 @p1 $0xFFFFEC00  }
0x61: {  	_ =	swait.ge @p1 [sflag:s14], $0x1400  }
0x62: {  	[sflag:s14] =	ssyncset.done @p1 $0x0  }
0x63: {  	[sflag:s14] =	ssyncadd.s32 @p1 $0xFFFFEC00  }
0x64: {  	_ =	swait.ge @p1 [sflag:s14], $0x1400  }
0x65: {  	[sflag:s14] =	ssyncset.done @p1 $0x0  }
0x66: {  	[sflag:s14] =	ssyncadd.s32 @p1 $0xFFFFEC00  }
0x67: {  	_ =	swait.ge @p1 [sflag:s14], $0x1400  }
0x68: {  	[sflag:s14] =	ssyncset.done @p1 $0x0  }
0x69: {  	[sflag:s14] =	ssyncadd.s32 @p1 $0xFFFFEC00  }
0x6a: {  	_ =	swait.ge @p1 [sflag:s14], $0x1400  }
0x6b: {  	[sflag:s14] =	ssyncset.done @p1 $0x0  }
0x6c: {  	[sflag:s14] =	ssyncadd.s32 @p1 $0xFFFFEC00  }
0x6d: {  	_ =	swait.ge @p1 [sflag:s14], $0x1400  }
0x6e: {  	[sflag:s14] =	ssyncset.done @p1 $0x0  }
0x6f: {  	[sflag:s14] =	ssyncadd.s32 @p1 $0xFFFFEC00  }
0x70: {  	_ =	swait.ge @p1 [sflag:s14], $0x1400  }
0x71: {  	[sflag:s14] =	ssyncset.done @p1 $0x0  }
0x72: {  	[sflag:s14] =	ssyncadd.s32 @p1 $0xFFFFEC00  }
0x73: {  	_ =	swait.ge @p1 [sflag:s14], $0x1400  }
0x74: {  	[sflag:s14] =	ssyncset.done @p1 $0x0  }
0x75: {  	[sflag:s14] =	ssyncadd.s32 @p1 $0xFFFFEC00  }
0x76: {  	_ =	swait.ge @p1 [sflag:s14], $0x1400  }
0x77: {  	[sflag:s14] =	ssyncset.done @p1 $0x0  }
0x78: {  	[sflag:s14] =	ssyncadd.s32 @p1 $0xFFFFEC00  }
0x79: {  	_ =	swait.ge @p1 [sflag:s14], $0x1400  }
0x7a: {  	[sflag:s14] =	ssyncset.done @p1 $0x0  }
0x7b: {  	[sflag:s14] =	ssyncadd.s32 @p1 $0xFFFFEC00  }
0x7c: {  	_ =	swait.ge @p1 [sflag:s14], $0x1400  }
0x7d: {  	[sflag:s14] =	ssyncset.done @p1 $0x0  }
0x7e: {  	[sflag:s14] =	ssyncadd.s32 @p1 $0xFFFFEC00  }
0x7f: {  	[bflag:$0x0] =	sbarrier.arrive @p1 $0xFFFF  }
0x80: {  	[tilespmem:s0], [sflag:$0x1] =	stream.indirect.gather [hbm4b:s4+s31], $0x80, s28, s31, $0xb8;
	[tilespmem:$0x1F800] =	vst v63  }
0x81: {  	p0 =	por p1, p1;
	s14 =	simm.s32 $0x3;
	p1 =	por $0x0, $0x0  }
0x82: {  	s16 =	simm.s32 $0x0;
	s14 =	sand.u32 @!p1 $0x3, s14  }
0x83: {  	[tilespmem:s8], [sflag:$0x1] =	stream.indirect.gather [hbm4b:s4+s31], $0x80, s2, s31, $0xb8;
	[tilespmem:$0x1F800] =	vst v63  }
0x84: {  	s16 =	sand.u32 $0x3, s16;
	s15 =	smul.u32 @!p1 $0x5000, s14  }
0x85: {  	[tilespmem:s11], [sflag:$0x1] =	stream.indirect.gather [hbm4b:s4+s31], $0x80, s10, s31, $0xb8;
	[tilespmem:$0x1F800] =	vst v63  }
0x86: {  	s19 =	smul.u32 $0x5000, s16;
	s15 =	sshrl.u32 @!p1 s15, $0x2  }
0x87: {  	s17 =	simm.s32 @!p1 $0x28;
	s14 =	simm.s32 $0x14078;
	s15 =	sadd.s32 @!p1 $0x19400, s15  }
0x88: {  	[tilespmem:s15], [sflag:$0x1] =	stream.indirect.gather @!p1 [hbm4b:s4+s17], $0x80, s14, s17, $0xb8;
	[tilespmem:$0x1F800] =	vst v63  }
0x89: {  	s20 =	simm.s32 $0x15400;
	_ =	swait.ge [sflag:s12], $0x1400  }
0x8a: {  	s17 =	simm.s32 $0x4;
	s15 =	sshrl.u32 s19, $0x2;
	[sflag:s12] =	ssyncset.done $0x0  }
0x8b: {  	p1 =	por $0x0, $0x0;
	s15 =	sadd.s32 $0x19400, s15;
	[sflag:s12] =	ssyncadd.s32 $0xFFFFEC00  }
0x8c: {  	[spmem:s1] =	stream.indirect.scatter.add.f32 [tilespmem:s15], [sflag:$0x3], $0x80, s20, s31, $0xb8;
	[tilespmem:$0x1F800] =	vst v63  }
0x8d: {  	s16 =	simm.s32 $0x5;
	s15 =	sand.u32 @!p1 $0x3, s17  }
0x8e: {  	s18 =	smul.u32 @!p1 $0x5000, s15;
	_ =	swait.ge [sflag:s29], $0x1400;
	s15 =	simm.s32 $0x15480  }
.LBB2_5:
0x8f: {  	[sflag:s29] =	ssyncset.done $0x0  }
0x90: {  	s14 =	sadd.s32 $0x28, s14;
	s19 =	smov.u32 s16;
	s16 =	sadd.s32 $0x1, s16  }
0x91: {  	s17 =	sadd.s32 $0xFFFFFFFD, s17;
	s18 =	sshrl.u32 @!p1 s18, $0x2;
	[sflag:s29] =	ssyncadd.s32 $0xFFFFEC00  }
0x92: {  	s20 =	simm.s32 @!p1 $0x28;
	s17 =	sand.u32 $0x3, s17;
	s18 =	sadd.s32 @!p1 $0x19400, s18  }
0x93: {  	[tilespmem:s18], [sflag:$0x1] =	stream.indirect.gather @!p1 [hbm4b:s4+s20], $0x80, s14, s20, $0xb8;
	[tilespmem:$0x1F800] =	vst v63  }
0x94: {  	p2 =	sne.s32 s16, $0x80;
	s18 =	smul.u32 $0x5000, s17;
	_ =	swait.ge [sflag:s12], $0x1400  }
.Ltmp1:
0x95: {  	s17 =	smov.u32 s19;
	[sflag:s12] =	ssyncset.done $0x0;
	(pc) =	sbr.rel @p2 .LBB2_5-.Ltmp1, $4  }
0x96: {  	p1 =	sgt.u32 s17, $0x7C;
	s18 =	sshrl.u32 s18, $0x2;
	[sflag:s12] =	ssyncadd.s32 $0xFFFFEC00  }
0x97: {  	s19 =	sand.u32 @!p1 $0x3, s17;
	s18 =	sadd.s32 $0x19400, s18  }
0x98: {  	[spmem:s1] =	stream.indirect.scatter.add.f32 [tilespmem:s18], [sflag:$0x3], $0x80, s15, s31, $0xb8;
	[tilespmem:$0x1F800] =	vst v63  }
0x99: {  	s18 =	smul.u32 @!p1 $0x5000, s19;
	s15 =	sadd.s32 $0x80, s15;
	_ =	swait.ge [sflag:s29], $0x1400  }
0x9a: {  	[sflag:s29] =	ssyncset.done $0x0;
	s14 =	sadd.s32 $0x28, s14;
	s17 =	sadd.s32 $0xFFFFFFFD, s17  }
0x9b: {  	s16 =	sshrl.u32 @!p1 s18, $0x2;
	[sflag:s29] =	ssyncadd.s32 $0xFFFFEC00;
	s17 =	sand.u32 $0x3, s17  }
0x9c: {  	s18 =	simm.s32 @!p1 $0x28;
	s16 =	sadd.s32 @!p1 $0x19400, s16;
	s20 =	smul.u32 $0x5000, s17  }
0x9d: {  	[tilespmem:s16], [sflag:$0x1] =	stream.indirect.gather @!p1 [hbm4b:s4+s18], $0x80, s14, s18, $0xb8;
	[tilespmem:$0x1F800] =	vst v63  }
0x9e: {  	_ =	swait.ge [sflag:s12], $0x1400  }
0x9f: {  	s14 =	sshrl.u32 s20, $0x2;
	[sflag:s12] =	ssyncset.done $0x0  }
.Ltmp2:
0xa0: {  	s14 =	sadd.s32 $0x19400, s14;
	[sflag:s12] =	ssyncadd.s32 $0xFFFFEC00;
	(pc) =	sbr.rel @p0 .LBB2_4-.Ltmp2, $4  }
0xa1: {  	[spmem:s1] =	stream.indirect.scatter.add.f32 [tilespmem:s14], [sflag:$0x3], $0x80, s15, s31, $0xb8;
	[tilespmem:$0x1F800] =	vst v63  }
0xa2: {  	_ =	swait.ge [sflag:s29], $0x1400  }
0xa3: {  	[sflag:s29] =	ssyncset.done $0x0  }
0xa4: {  	p1 =	por $0x0, $0x0;
	s14 =	simm.s32 $0x1;
	[sflag:s29] =	ssyncadd.s32 $0xFFFFEC00  }
0xa5: {  	s14 =	stileid.u32  }
0xa6: {  	[bflag:$0x0] =	sbarrier.arrive $0xFFFF;
	s14 =	sshll.u32 s14, $0x6  }
0xa7: {  	s15 =	sshrl.u32 s9, $0x3;
	s16 =	rddreg [dreg:$0x3];
	s14 =	sor.u32 $0x1C03, s14  }
0xa8: {  	[hbm:s16], [sflag:s14] =	dma.local [spmem:s15], $0x2800  }
0xa9: {  	_ =	swait.ge [sflag:s29], $0x2800  }
0xaa: {  	s13 =	sadd.s32 $0x1, s13;
	s20 =	rddreg [dreg:$0x4]  }
0xab: {  	p0 =	sne.s32 s13, s20  }
.Ltmp3:
0xac: {  	_ = 	snop;
	(pc) =	sbr.rel @p0 .LBB2_1-.Ltmp3, $3  }
0xad: {  	_ =	sdelay $0x1  }
0xae: {  	[sflag:s29] =	ssyncset.done $0x0  }
0xaf: {  	[sflag:s29] =	ssyncadd.s32 $0xFFFFD800  }
0xb0: {  	_ =	sfence.sel $0x180000  }
0xb1: {  	[bflag:$0x0] =	sbarrier.arrive $0xFFFF  }
0xb2: {  	_ =	strace $0x90000047  }
0xb3: {  	s0 =	stileid.u32;
	[bflag:$0x2] =	sbarrier.arrive $0xFFFF  }
0xb4: {  	p0 =	sne.s32 s0, $0x0;
	s0 =	rddreg [dreg:$0x2]  }
0xb5: {  	s0 =	sadd.s32 @!p0 $0x100000, s0  }
0xb6: {  	[sflag:s0] =	ssyncadd.tile.s32 @!p0 $0x1;
	_ =	shalt  }
.Lfunc_end2:
_tile_overlayer_lowered:
.L_overlay_start_2:
0xb7: {  	(tag) =	ssettag $0x2  }
0xb8: {  	s0 =	rddreg [dreg:$0x0];
	s2 =	stileid.u32  }
0xb9: {  	s1 =	rddreg [dreg:$0x1];
	p0 =	sne.s32 s2, $0x0  }
0xba: {  	s3 =	rddreg [dreg:$0x2];
	[bflag:$0x3] =	sbarrier.arrive $0xFFFF;
	s2 =	simm.s32 @!p0 $0x1C03  }
0xbb: {  	[timem:s3], [sflag:s2] =	dma.local @!p0 [hbm:s0], s1  }
0xbc: {  	s0 =	simm.s32 @!p0 $0x3  }
0xbd: {  	_ =	swait.ge @!p0 [sflag:s0], s1  }
0xbe: {  	s1 =	ssub.s32 @!p0 $0x0, s1;
	[sflag:s0] =	ssyncset.done @!p0 $0x0  }
0xbf: {  	[sflag:s0] =	ssyncadd.s32 @!p0 s1  }
0xc0: {  	[bflag:$0x3] =	sbarrier.arrive $0xFFFF  }
0xc1: {  	_ =	shalt  }

// kernel: kernel.14.cloned.1.call-start
scs
__scs_entry_jumppad:
0x0: {  	(pc) =	sbr.rel $0x88, $3  }
0x1: {  	(tag) =	ssettag $0x0;
	lr =	simm.s32 $0x1  }
0x2: {  	[smem:$0x3F92] =	sst lr;
	_ =	strace $0xD0000000  }
0x3: {  	_ = 	snop  }
0x4: {  	_ = 	snop  }
0x5: {  	_ = 	snop  }
0x6: {  	_ = 	snop  }
0x7: {  	_ = 	snop  }
__scs_overlays_trampoline_lowered:
0x8: {  	[smem:$0x3FA1] =	sst s0  }
0x9: {  	[smem:$0x3FA2] =	sst s1  }
0xa: {  	[smem:$0x3FA3] =	sst s2  }
0xb: {  	[smem:$0x3FA4] =	sst s3  }
0xc: {  	[smem:$0x3FA5] =	sst s4  }
0xd: {  	[smem:$0x3FA6] =	sst s5  }
0xe: {  	[smem:$0x3FA7] =	sst s6  }
0xf: {  	[smem:$0x3FA8] =	sst s7  }
0x10: {  	[smem:$0x3FA9] =	sst s8  }
0x11: {  	[smem:$0x3FAA] =	sst s9;
	s0 =	simm.s32 @!p0 $0x0  }
0x12: {  	s1 =	sld [smem:$0x3F90];
	s0 =	simm.s32 @p0 $0x1  }
0x13: {  	[smem:$0x3FAB] =	sst s0;
	s0 =	simm.s32 @!p1 $0x0  }
0x14: {  	s2 =	sld [smem:$0x3F8F];
	s0 =	simm.s32 @p1 $0x1  }
0x15: {  	[smem:$0x3FAC] =	sst s0;
	s0 =	simm.s32 @!p2 $0x0  }
0x16: {  	s3 =	sld [smem:$0x3FDB];
	s0 =	simm.s32 @p2 $0x1  }
0x17: {  	s4 =	simm.s32 $0x1BF5;
	[smem:$0x3FAE] =	sst s0  }
0x18: {  	s0 =	sld [smem:$0x3F91];
	_ =	swait.ge [sflag:s4], $0x0  }
0x19: {  	s7 =	sld [smem:$0x3F92]  }
0x1a: {  	s8 =	sadd.s32 $0xFFFFE003, lr  }
0x1b: {  	s9 =	sadd.s32 $0xFFFFFEF7, lr;
	s5 =	simm.s32 $0xFFFFFFFF;
	p2 =	slt.u32 s8, $0xFFFFF086  }
0x1c: {  	p1 =	slt.u32 s9, $0xF7A;
	s5 =	simm.s32 @!p2 $0x0  }
0x1d: {  	s5 =	simm.s32 @p1 $0x1;
	p0 =	seq.s32 s7, s2  }
0x1e: {  	s7 =	smul.u32 @!p0 $0xF7A, s2;
	p2 =	seq.s32 @!p0 s5, $0x0  }
0x1f: {  	s9 =	smul.u32 $0xF7A, s1;
	s8 =	simm.s32 @!p0 $0x1BF5;
	p2 =	por !p2, p0  }
0x20: {  	[sflag:s8] =	ssyncset.s32 @!p0 $0xFFFFF086;
	s6 =	sadd.s32 @!p0 s3, s7;
	s7 =	simm.s32 @!p0 $0x108  }
0x21: {  	s3 =	sadd.s32 s3, s9;
	s6 =	sadd.s32 @!p0 $0x88, s6;
	s7 =	simm.s32 @p2 $0x1082  }
0x22: {  	[simem:s7], [sflag:s8] =	dma.local @!p0 [hbm:s6], $0xF7A  }
0x23: {  	s9 =	sor.u32 $0xD0000000, s2;
	s6 =	simm.s32 $0x108;
	_ =	swait.ge @!p0 [sflag:s8], $0x0  }
0x24: {  	s3 =	sadd.s32 $0x88, s3;
	s6 =	simm.s32 @!p1 $0x1082;
	[sflag:s4] =	ssyncset.s32 $0xFFFFF086  }
0x25: {  	[simem:s6], [sflag:s4] =	dma.local [hbm:s3], $0xF7A  }
0x26: {  	[smem:$0x3F92] =	sst s1;
	(tag) =	ssettag s2;
	_ =	strace s9  }
0x27: {  	s1 =	sld [smem:$0x3FA2]  }
0x28: {  	s2 =	sld [smem:$0x3FA3]  }
0x29: {  	s4 =	sld [smem:$0x3FA5]  }
0x2a: {  	p0 =	seq.s32 s5, $0x0;
	s5 =	sld [smem:$0x3FA6]  }
0x2b: {  	s6 =	sld [smem:$0x3FA7]  }
0x2c: {  	s7 =	sld [smem:$0x3FA8]  }
0x2d: {  	s3 =	simm.s32 $0x108;
	s8 =	sld [smem:$0x3FA9]  }
0x2e: {  	s3 =	simm.s32 @!p0 $0x1082;
	s9 =	sld [smem:$0x3FAA]  }
0x2f: {  	lr =	sadd.s32 s0, s3;
	s0 =	sld [smem:$0x3FA1]  }
0x30: {  	s3 =	sld [smem:$0x3FA4]  }
0x31: {  	[smem:$0x3FAD] =	sst s10  }
0x32: {  	s10 =	sld [smem:$0x3FAB];
	_ =	sdelay $0x3  }
0x33: {  	p0 =	seq.s32 s10, $0x1;
	s10 =	sld [smem:$0x3FAD];
	_ =	sdelay $0x3  }
0x34: {  	[smem:$0x3FAD] =	sst s10  }
0x35: {  	s10 =	sld [smem:$0x3FAC];
	_ =	sdelay $0x3  }
0x36: {  	p1 =	seq.s32 s10, $0x1;
	s10 =	sld [smem:$0x3FAD];
	_ =	sdelay $0x3  }
0x37: {  	[smem:$0x3FAD] =	sst s10  }
0x38: {  	s10 =	sld [smem:$0x3FAE]  }
0x39: {  	_ = 	snop;
	(pc) =	sbr.ind lr, $3  }
0x3a: {  	_ = 	snop  }
0x3b: {  	_ = 	snop  }
0x3c: {  	p2 =	seq.s32 s10, $0x1;
	s10 =	sld [smem:$0x3FAD]  }
0x3d: {  	_ =	shalt  }
0x3e: {  	_ =	shalt  }
0x3f: {  	_ =	shalt  }
0x40: {  	_ =	shalt  }
0x41: {  	_ =	shalt  }
0x42: {  	_ =	shalt  }
0x43: {  	_ =	shalt  }
0x44: {  	_ =	shalt  }
0x45: {  	_ =	shalt  }
0x46: {  	_ =	shalt  }
0x47: {  	_ =	shalt  }
0x48: {  	_ =	shalt  }
0x49: {  	_ =	shalt  }
0x4a: {  	_ =	shalt  }
0x4b: {  	_ =	shalt  }
0x4c: {  	_ =	shalt  }
0x4d: {  	_ =	shalt  }
0x4e: {  	_ =	shalt  }
0x4f: {  	_ =	shalt  }
0x50: {  	_ =	shalt  }
0x51: {  	_ =	shalt  }
0x52: {  	_ =	shalt  }
0x53: {  	_ =	shalt  }
0x54: {  	_ =	shalt  }
0x55: {  	_ =	shalt  }
0x56: {  	_ =	shalt  }
0x57: {  	_ =	shalt  }
0x58: {  	_ =	shalt  }
0x59: {  	_ =	shalt  }
0x5a: {  	_ =	shalt  }
0x5b: {  	_ =	shalt  }
0x5c: {  	_ =	shalt  }
0x5d: {  	_ =	shalt  }
0x5e: {  	_ =	shalt  }
0x5f: {  	_ =	shalt  }
0x60: {  	_ =	shalt  }
0x61: {  	_ =	shalt  }
0x62: {  	_ =	shalt  }
0x63: {  	_ =	shalt  }
0x64: {  	_ =	shalt  }
0x65: {  	_ =	shalt  }
0x66: {  	_ =	shalt  }
0x67: {  	_ =	shalt  }
0x68: {  	_ =	shalt  }
0x69: {  	_ =	shalt  }
0x6a: {  	_ =	shalt  }
0x6b: {  	_ =	shalt  }
0x6c: {  	_ =	shalt  }
0x6d: {  	_ =	shalt  }
0x6e: {  	_ =	shalt  }
0x6f: {  	_ =	shalt  }
0x70: {  	_ =	shalt  }
0x71: {  	_ =	shalt  }
0x72: {  	_ =	shalt  }
0x73: {  	_ =	shalt  }
0x74: {  	_ =	shalt  }
0x75: {  	_ =	shalt  }
0x76: {  	_ =	shalt  }
0x77: {  	_ =	shalt  }
0x78: {  	_ =	shalt  }
0x79: {  	_ =	shalt  }
0x7a: {  	_ =	shalt  }
0x7b: {  	_ =	shalt  }
0x7c: {  	_ =	shalt  }
0x7d: {  	_ =	shalt  }
0x7e: {  	_ =	shalt  }
0x7f: {  	_ =	shalt  }
0x80: {  	_ =	shalt  }
0x81: {  	_ =	shalt  }
0x82: {  	_ =	shalt  }
0x83: {  	_ =	shalt  }
0x84: {  	_ =	shalt  }
0x85: {  	_ =	shalt  }
0x86: {  	_ =	shalt  }
0x87: {  	_ =	shalt  }
.Lfunc_end0:
.L_simem_size_0:
called_computation.2_lowered:
.L_overlay_start_0:
0x88: {  	s2 =	sld [smem:$0x3FD9]  }
0x89: {  	s3 =	sld [smem:$0x3FFE];
	_ =	sdelay $0x1  }
0x8a: {  	s1 =	srdreg.scid  }
0x8b: {  	s0 =	sand.u32 $0x1, s1  }
0x8c: {  	s16 =	sshll.u32 s0, $0xA;
	s2 =	sadd.s32 s3, s2  }
0x8d: {  	s2 =	sadd.s32 s2, s16  }
0x8e: {  	[smem:$0x3FB9] =	sst s2  }
0x8f: {  	_ = 	snop  }
0x90: {  	(tm) =	ssettm $0x1  }
0x91: {  	s17 =	sld [smem:$0x3FFB];
	_ =	sdelay $0x3  }
0x92: {  	_ =	strace s17  }
0x93: {  	s2 =	sld [smem:$0x3FFC];
	_ =	sdelay $0x3  }
0x94: {  	_ =	strace s2  }
0x95: {  	s2 =	sld [smem:$0x3FFD];
	_ =	sdelay $0x3  }
0x96: {  	_ =	strace s2  }
0x97: {  	_ =	strace $0x8FFFFFFF  }
0x98: {  	s18 =	sld [smem:$0x3FDB];
	_ =	sdelay $0x1  }
0x99: {  	s19 =	simm.s32 $_scs_section_size  }
0x9a: {  	s4 =	simm.s32 $_size__tile_overlayer_lowered;
	s5 =	simm.s32 $_tile_overlayer_lowered  }
0x9b: {  	s22 =	simm.s32 $0x1BFF;
	s21 =	sshll.u32 s5, $0x1;
	s2 =	sadd.s32 s19, s18  }
0x9c: {  	s6 =	simm.s32 $0x0;
	s20 =	sshll.u32 s4, $0x1;
	s4 =	sadd.s32 s21, s2  }
0x9d: {  	[timem:s6], [sflag:s22] =	dma.local [hbm:s4], s20  }
0x9e: {  	_ =	swait.ge [sflag:s22], s20  }
0x9f: {  	s3 =	ssub.s32 $0x0, s20;
	[sflag:s22] =	ssyncset.done $0x0  }
0xa0: {  	[sflag:s22] =	ssyncadd.s32 s3;
	_ =	sdelay $0x1  }
0xa1: {  	s23 =	simm.s32 $0x1B8B  }
0xa2: {  	_ =	swait.ge [sflag:s23], $0x1  }
0xa3: {  	[sflag:s23] =	ssyncset.done $0x0  }
0xa4: {  	s25 =	simm.s32 $0x1B8E;
	s24 =	sld [smem:$0x3FFE];
	[sflag:s23] =	ssyncadd.s32 $0xFFFFFFFF  }
0xa5: {  	s26 =	simm.s32 $execute0_lowered;
	[smem:$0x3FD2] =	sst s25  }
0xa6: {  	s4 =	sshll.u32 s26, $0x1;
	_ =	strace $0x8000004C;
	[dreg:$0x1] =	wrdreg $0xFFFFFFFF  }
0xa7: {  	s28 =	simm.s32 $_size_execute0_lowered;
	s2 =	sadd.s32 s2, s4;
	[dreg:$0x0] =	wrdreg $0x0  }
0xa8: {  	s4 =	sshll.u32 s28, $0x1;
	[dreg:$0x2] =	wrdreg s2  }
0xa9: {  	[dreg:$0x3] =	wrdreg s4  }
0xaa: {  	[dreg:$0x4] =	wrdreg $0xC0  }
0xab: {  	_ =	task [dreg:s6], $0x5FFFF  }
0xac: {  	[dreg:$0x1] =	wrdreg $0xFFFFFFFF  }
0xad: {  	[dreg:$0x0] =	wrdreg $0x60  }
0xae: {  	[dreg:$0x2] =	wrdreg s24  }
0xaf: {  	[dreg:$0x3] =	wrdreg $0x0  }
0xb0: {  	[dreg:$0x4] =	wrdreg $0x9  }
0xb1: {  	_ =	task.clear_ibuf [dreg:s6], $0x5FFFF;
	_ =	strace $0x9000004C  }
0xb2: {  	s29 =	simm.s32 $0x9;
	_ =	strace $0x8000004E  }
0xb3: {  	_ =	swait.ge [sflag:s29], $0x1  }
0xb4: {  	[sflag:s29] =	ssyncadd.s32 $0xFFFFFFFF  }
0xb5: {  	_ =	strace $0x9000004E  }
0xb6: {  	_ =	sfence  }
0xb7: {  	s30 =	sld [smem:$0x0];
	_ =	sdelay $0x2  }
0xb8: {  	s31 =	sshll.u32 s1, $0xD;
	s1 =	sshrl.u32 s1, $0x2  }
0xb9: {  	s3 =	sand.u32 $0x4000, s31;
	s1 =	sadd.s32 s1, s30  }
0xba: {  	s0 =	sor.u32 s3, s0;
	s1 =	sshll.u32 s1, $0x11  }
0xbb: {  	s0 =	sor.u32 s1, s0  }
0xbc: {  	s0 =	sadd.s32 $0x8F2B, s0  }
0xbd: {  	[sflag:s0] =	ssyncadd.remote.s32 $0x1  }
0xbe: {  	_ =	sfence.sel $0xFFFF  }
0xbf: {  	[dreg:$0x0] =	wrdreg $0xFFFFFFFF;
	(pc) =	sbr.abs _section_cstart, $3  }
0xc0: {  	[dreg:$0x1] =	wrdreg $0xFFFFFFFF  }
0xc1: {  	_ =	task.clear_ibuf [dreg:s6], $0x2FFFF;
	_ =	strace $0x9FFFFFFF  }
0xc2: {  	(tm) =	ssettm $0x7FFFFFFF  }
0xc3: {  	_ =	shalt  }
tec
execute0_lowered:
.L_overlay_start_1:
0x0: {  	(tag) =	ssettag $0x1  }
0x1: {  	s0 =	rddreg [dreg:$0x0]  }
0x2: {  	s1 =	rddreg [dreg:$0x1];
	s3 =	simm.s32 $0x0;
	s2 =	srdreg.scid  }
0x3: {  	s10 =	stileid.u32;
	[smem:$0x7FF] =	sst s3  }
0x4: {  	s2 =	sand.u32 $0x1, s2;
	s8 =	smul.u32 $0x14000, s10;
	s4 =	sadd.s32 $0x17000, s0  }
0x5: {  	s5 =	sadd.s32 $0xD200, s0;
	s6 =	smul.u32 $0x140000, s2;
	s7 =	sshll.u32 s2, $0x4  }
0x6: {  	_ =	strace $0x8000004D;
	s2 =	ssub.s32 $0x2, s2;
	s7 =	sor.u32 s10, s7  }
0x7: {  	s14 =	sshrl.u32 s2, $0x1;
	s10 =	smul.u32 $0x50000, s10;
	s6 =	sadd.s32 s8, s6  }
0x8: {  	s9 =	sshll.u32 s7, $0xC;
	s2 =	ssub.s32 s2, s14;
	s6 =	sshrl.u32 s6, $0x3  }
0x9: {  	s9 =	sadd.s32 s9, s0;
	s15 =	sshrl.u32 s10, $0x2;
	s16 =	smax.u32 s2, $0x1  }
0xa: {  	s0 =	sadd.s32 s6, s0;
	s6 =	smul.u32 $0x2710, s7;
	s7 =	sadd.s32 $0xC2200, s9  }
0xb: {  	s9 =	sadd.s32 s15, s1;
	[dreg:$0x4] =	wrdreg s16;
	s0 =	sadd.s32 $0x3F000, s0  }
0xc: {  	s17 =	sadd.s32 $0x1400, s9;
	[dreg:$0x3] =	wrdreg s0  }
0xd: {  	s28 =	simm.s32 $0x14000;
	s18 =	sadd.s32 $0x2800, s9;
	[dreg:$0x5] =	wrdreg s17  }
0xe: {  	s29 =	simm.s32 $0x3;
	s19 =	sadd.s32 $0x3C00, s9;
	[dreg:$0x6] =	wrdreg s18  }
0xf: {  	s30 =	simm.s32 $0x15400;
	s20 =	sadd.s32 $0x5000, s9;
	[dreg:$0x7] =	wrdreg s19  }
0x10: {  	s31 =	simm.s32 $0x28;
	s21 =	sadd.s32 $0x6400, s9;
	[dreg:$0x8] =	wrdreg s20  }
0x11: {  	s11 =	simm.s32 $0x1BC00;
	s22 =	sadd.s32 $0x7800, s9;
	[dreg:$0x9] =	wrdreg s21  }
0x12: {  	s12 =	simm.s32 $0x1;
	s23 =	sadd.s32 $0x8C00, s9;
	[dreg:$0xa] =	wrdreg s22  }
0x13: {  	s13 =	simm.s32 $0x0;
	s24 =	sadd.s32 $0xA000, s9;
	[dreg:$0xb] =	wrdreg s23  }
0x14: {  	s8 =	simm.s32 $0x1A800;
	s25 =	sadd.s32 $0xB400, s9;
	[dreg:$0xc] =	wrdreg s24  }
0x15: {  	s2 =	simm.s32 $0x14028;
	s26 =	sadd.s32 $0xC800, s9;
	[dreg:$0xd] =	wrdreg s25  }
0x16: {  	s10 =	simm.s32 $0x14050;
	[dreg:$0xe] =	wrdreg s26;
	s21 =	sadd.s32 $0xDC00, s9  }
0x17: {  	s22 =	sadd.s32 $0xF000, s9;
	s23 =	sadd.s32 $0x10400, s9;
	s24 =	sadd.s32 $0x11800, s9  }
0x18: {  	v0 =	vimm.f32 $0.0e+00;
	s25 =	sadd.s32 $0x12C00, s9;
	s26 =	simm.s32 $0x1E400;
	s0 =	simm.s32 $0x19400  }
.LBB2_1:
0x19: {  	s14 =	sand.u32 $0x7E00, s3  }
0x1a: {  	s15 =	sand.u32 $0x70, s3;
	s16 =	sshrl.u32 s14, $0x2  }
0x1b: {  	s14 =	simm.s32 $0x40;
	s16 =	sor.u32 s15, s16;
	s15 =	simm.s32 $0x0  }
.LBB2_2:
0x1c: {  	p0 =	sne.s32 s14, $0x4FC0  }
0x1d: {  	[tilespmem:s16+$0x1E400] =	vst v0;
	s15 =	sadd.s32 $0x10, s15;
	s16 =	smov.u32 s14;
	s14 =	sadd.s32 $0x40, s14  }
.Ltmp0:
0x1e: {  	(pc) =	sbr.rel @p0 .LBB2_2-.Ltmp0, $4  }
0x1f: {  	_ = 	snop  }
0x20: {  	s16 =	sand.u32 $0x7E00, s16  }
0x21: {  	s17 =	sand.u32 $0x70, s15;
	s16 =	sshrl.u32 s16, $0x2  }
0x22: {  	s16 =	sor.u32 s17, s16  }
0x23: {  	[tilespmem:s16+$0x1E400] =	vst v0  }
0x24: {  	[spmem:s9] =	stream.linear.scatter [tilespmem:s26], [sflag:$0x2], $0x1400, $0x38;
	[tilespmem:$0x1F800] =	vst v63  }
0x25: {  	s14 =	rddreg [dreg:$0x5]  }
0x26: {  	[spmem:s14] =	stream.linear.scatter [tilespmem:s26], [sflag:$0x2], $0x1400, $0x38;
	[tilespmem:$0x1F800] =	vst v63  }
0x27: {  	s18 =	rddreg [dreg:$0x6]  }
0x28: {  	[spmem:s18] =	stream.linear.scatter [tilespmem:s26], [sflag:$0x2], $0x1400, $0x38;
	[tilespmem:$0x1F800] =	vst v63  }
0x29: {  	s19 =	rddreg [dreg:$0x7]  }
0x2a: {  	[spmem:s19] =	stream.linear.scatter [tilespmem:s26], [sflag:$0x2], $0x1400, $0x38;
	[tilespmem:$0x1F800] =	vst v63  }
0x2b: {  	s20 =	rddreg [dreg:$0x8]  }
0x2c: {  	[spmem:s20] =	stream.linear.scatter [tilespmem:s26], [sflag:$0x2], $0x1400, $0x38;
	[tilespmem:$0x1F800] =	vst v63  }
0x2d: {  	s15 =	rddreg [dreg:$0x9]  }
0x2e: {  	[spmem:s15] =	stream.linear.scatter [tilespmem:s26], [sflag:$0x2], $0x1400, $0x38;
	[tilespmem:$0x1F800] =	vst v63  }
0x2f: {  	s16 =	rddreg [dreg:$0xa]  }
0x30: {  	[spmem:s16] =	stream.linear.scatter [tilespmem:s26], [sflag:$0x2], $0x1400, $0x38;
	[tilespmem:$0x1F800] =	vst v63  }
0x31: {  	s17 =	rddreg [dreg:$0xb]  }
0x32: {  	[spmem:s17] =	stream.linear.scatter [tilespmem:s26], [sflag:$0x2], $0x1400, $0x38;
	[tilespmem:$0x1F800] =	vst v63  }
0x33: {  	s18 =	rddreg [dreg:$0xc]  }
0x34: {  	[spmem:s18] =	stream.linear.scatter [tilespmem:s26], [sflag:$0x2], $0x1400, $0x38;
	[tilespmem:$0x1F800] =	vst v63  }
0x35: {  	s19 =	rddreg [dreg:$0xd]  }
0x36: {  	[spmem:s19] =	stream.linear.scatter [tilespmem:s26], [sflag:$0x2], $0x1400, $0x38;
	[tilespmem:$0x1F800] =	vst v63  }
0x37: {  	s20 =	rddreg [dreg:$0xe]  }
0x38: {  	[spmem:s20] =	stream.linear.scatter [tilespmem:s26], [sflag:$0x2], $0x1400, $0x38;
	[tilespmem:$0x1F800] =	vst v63  }
0x39: {  	_ = 	snop  }
0x3a: {  	[spmem:s21] =	stream.linear.scatter [tilespmem:s26], [sflag:$0x2], $0x1400, $0x38;
	[tilespmem:$0x1F800] =	vst v63  }
0x3b: {  	_ = 	snop  }
0x3c: {  	[spmem:s22] =	stream.linear.scatter [tilespmem:s26], [sflag:$0x2], $0x1400, $0x38;
	[tilespmem:$0x1F800] =	vst v63  }
0x3d: {  	_ = 	snop  }
0x3e: {  	[spmem:s23] =	stream.linear.scatter [tilespmem:s26], [sflag:$0x2], $0x1400, $0x38;
	[tilespmem:$0x1F800] =	vst v63  }
0x3f: {  	_ = 	snop  }
0x40: {  	[spmem:s24] =	stream.linear.scatter [tilespmem:s26], [sflag:$0x2], $0x1400, $0x38;
	[tilespmem:$0x1F800] =	vst v63  }
0x41: {  	p1 =	por $0x1, $0x1;
	s14 =	simm.s32 $0x0  }
0x42: {  	[spmem:s25] =	stream.linear.scatter [tilespmem:s26], [sflag:$0x2], $0x1400, $0x38;
	[tilespmem:$0x1F800] =	vst v63  }
.LBB2_4:
0x43: {  	s15 =	smul.u32 $0x1388, s14;
	_ =	sdelay $0x1  }
0x44: {  	s15 =	sadd.s32 s6, s15  }
0x45: {  	s15 =	sshrl.u32 s15, $0x3  }
0x46: {  	s15 =	sadd.s32 s5, s15  }
0x47: {  	[tilespmem:s28], [sflag:$0x3] =	stream.linear.gather [hbm4b:s15+s3], $0x1388, $0x38;
	[tilespmem:$0x1F800] =	vst v63  }
0x48: {  	_ =	swait.ge [sflag:s29], $0x1388  }
0x49: {  	s18 =	sshll.u32 s14, $0xB;
	[sflag:s29] =	ssyncset.done $0x0  }
0x4a: {  	s14 =	sadd.s32 s18, s7;
	[sflag:s29] =	ssyncadd.s32 $0xFFFFEC78  }
0x4b: {  	[tilespmem:s30], [sflag:$0x3] =	stream.linear.gather [hbm4b:s14+s3], $0x4000, $0x38;
	[tilespmem:$0x1F800] =	vst v63  }
0x4c: {  	_ =	swait.ge [sflag:s29], $0x4000  }
0x4d: {  	[sflag:s29] =	ssyncset.done $0x0  }
0x4e: {  	s14 =	simm.s32 @p1 $0x2;
	[sflag:s29] =	ssyncadd.s32 $0xFFFFC000  }
0x4f: {  	_ =	swait.ge @p1 [sflag:s14], $0x1400  }
0x50: {  	[sflag:s14] =	ssyncset.done @p1 $0x0  }
0x51: {  	[sflag:s14] =	ssyncadd.s32 @p1 $0xFFFFEC00  }
0x52: {  	_ =	swait.ge @p1 [sflag:s14], $0x1400  }
0x53: {  	[sflag:s14] =	ssyncset.done @p1 $0x0  }
0x54: {  	[sflag:s14] =	ssyncadd.s32 @p1 $0xFFFFEC00  }
0x55: {  	_ =	swait.ge @p1 [sflag:s14], $0x1400  }
0x56: {  	[sflag:s14] =	ssyncset.done @p1 $0x0  }
0x57: {  	[sflag:s14] =	ssyncadd.s32 @p1 $0xFFFFEC00  }
0x58: {  	_ =	swait.ge @p1 [sflag:s14], $0x1400  }
0x59: {  	[sflag:s14] =	ssyncset.done @p1 $0x0  }
0x5a: {  	[sflag:s14] =	ssyncadd.s32 @p1 $0xFFFFEC00  }
0x5b: {  	_ =	swait.ge @p1 [sflag:s14], $0x1400  }
0x5c: {  	[sflag:s14] =	ssyncset.done @p1 $0x0  }
0x5d: {  	[sflag:s14] =	ssyncadd.s32 @p1 $0xFFFFEC00  }
0x5e: {  	_ =	swait.ge @p1 [sflag:s14], $0x1400  }
0x5f: {  	[sflag:s14] =	ssyncset.done @p1 $0x0  }
0x60: {  	[sflag:s14] =	ssyncadd.s32 @p1 $0xFFFFEC00  }
0x61: {  	_ =	swait.ge @p1 [sflag:s14], $0x1400  }
0x62: {  	[sflag:s14] =	ssyncset.done @p1 $0x0  }
0x63: {  	[sflag:s14] =	ssyncadd.s32 @p1 $0xFFFFEC00  }
0x64: {  	_ =	swait.ge @p1 [sflag:s14], $0x1400  }
0x65: {  	[sflag:s14] =	ssyncset.done @p1 $0x0  }
0x66: {  	[sflag:s14] =	ssyncadd.s32 @p1 $0xFFFFEC00  }
0x67: {  	_ =	swait.ge @p1 [sflag:s14], $0x1400  }
0x68: {  	[sflag:s14] =	ssyncset.done @p1 $0x0  }
0x69: {  	[sflag:s14] =	ssyncadd.s32 @p1 $0xFFFFEC00  }
0x6a: {  	_ =	swait.ge @p1 [sflag:s14], $0x1400  }
0x6b: {  	[sflag:s14] =	ssyncset.done @p1 $0x0  }
0x6c: {  	[sflag:s14] =	ssyncadd.s32 @p1 $0xFFFFEC00  }
0x6d: {  	_ =	swait.ge @p1 [sflag:s14], $0x1400  }
0x6e: {  	[sflag:s14] =	ssyncset.done @p1 $0x0  }
0x6f: {  	[sflag:s14] =	ssyncadd.s32 @p1 $0xFFFFEC00  }
0x70: {  	_ =	swait.ge @p1 [sflag:s14], $0x1400  }
0x71: {  	[sflag:s14] =	ssyncset.done @p1 $0x0  }
0x72: {  	[sflag:s14] =	ssyncadd.s32 @p1 $0xFFFFEC00  }
0x73: {  	_ =	swait.ge @p1 [sflag:s14], $0x1400  }
0x74: {  	[sflag:s14] =	ssyncset.done @p1 $0x0  }
0x75: {  	[sflag:s14] =	ssyncadd.s32 @p1 $0xFFFFEC00  }
0x76: {  	_ =	swait.ge @p1 [sflag:s14], $0x1400  }
0x77: {  	[sflag:s14] =	ssyncset.done @p1 $0x0  }
0x78: {  	[sflag:s14] =	ssyncadd.s32 @p1 $0xFFFFEC00  }
0x79: {  	_ =	swait.ge @p1 [sflag:s14], $0x1400  }
0x7a: {  	[sflag:s14] =	ssyncset.done @p1 $0x0  }
0x7b: {  	[sflag:s14] =	ssyncadd.s32 @p1 $0xFFFFEC00  }
0x7c: {  	_ =	swait.ge @p1 [sflag:s14], $0x1400  }
0x7d: {  	[sflag:s14] =	ssyncset.done @p1 $0x0  }
0x7e: {  	[sflag:s14] =	ssyncadd.s32 @p1 $0xFFFFEC00  }
0x7f: {  	[bflag:$0x0] =	sbarrier.arrive @p1 $0xFFFF  }
0x80: {  	[tilespmem:s0], [sflag:$0x1] =	stream.indirect.gather [hbm4b:s4+s31], $0x80, s28, s31, $0xb8;
	[tilespmem:$0x1F800] =	vst v63  }
0x81: {  	p0 =	por p1, p1;
	s14 =	simm.s32 $0x3;
	p1 =	por $0x0, $0x0  }
0x82: {  	s16 =	simm.s32 $0x0;
	s14 =	sand.u32 @!p1 $0x3, s14  }
0x83: {  	[tilespmem:s8], [sflag:$0x1] =	stream.indirect.gather [hbm4b:s4+s31], $0x80, s2, s31, $0xb8;
	[tilespmem:$0x1F800] =	vst v63  }
0x84: {  	s16 =	sand.u32 $0x3, s16;
	s15 =	smul.u32 @!p1 $0x5000, s14  }
0x85: {  	[tilespmem:s11], [sflag:$0x1] =	stream.indirect.gather [hbm4b:s4+s31], $0x80, s10, s31, $0xb8;
	[tilespmem:$0x1F800] =	vst v63  }
0x86: {  	s19 =	smul.u32 $0x5000, s16;
	s15 =	sshrl.u32 @!p1 s15, $0x2  }
0x87: {  	s17 =	simm.s32 @!p1 $0x28;
	s14 =	simm.s32 $0x14078;
	s15 =	sadd.s32 @!p1 $0x19400, s15  }
0x88: {  	[tilespmem:s15], [sflag:$0x1] =	stream.indirect.gather @!p1 [hbm4b:s4+s17], $0x80, s14, s17, $0xb8;
	[tilespmem:$0x1F800] =	vst v63  }
0x89: {  	s20 =	simm.s32 $0x15400;
	_ =	swait.ge [sflag:s12], $0x1400  }
0x8a: {  	s17 =	simm.s32 $0x4;
	s15 =	sshrl.u32 s19, $0x2;
	[sflag:s12] =	ssyncset.done $0x0  }
0x8b: {  	p1 =	por $0x0, $0x0;
	s15 =	sadd.s32 $0x19400, s15;
	[sflag:s12] =	ssyncadd.s32 $0xFFFFEC00  }
0x8c: {  	[spmem:s1] =	stream.indirect.scatter.add.f32 [tilespmem:s15], [sflag:$0x3], $0x80, s20, s31, $0xb8;
	[tilespmem:$0x1F800] =	vst v63  }
0x8d: {  	s16 =	simm.s32 $0x5;
	s15 =	sand.u32 @!p1 $0x3, s17  }
0x8e: {  	s18 =	smul.u32 @!p1 $0x5000, s15;
	_ =	swait.ge [sflag:s29], $0x1400;
	s15 =	simm.s32 $0x15480  }
.LBB2_5:
0x8f: {  	[sflag:s29] =	ssyncset.done $0x0  }
0x90: {  	s14 =	sadd.s32 $0x28, s14;
	s19 =	smov.u32 s16;
	s16 =	sadd.s32 $0x1, s16  }
0x91: {  	s17 =	sadd.s32 $0xFFFFFFFD, s17;
	s18 =	sshrl.u32 @!p1 s18, $0x2;
	[sflag:s29] =	ssyncadd.s32 $0xFFFFEC00  }
0x92: {  	s20 =	simm.s32 @!p1 $0x28;
	s17 =	sand.u32 $0x3, s17;
	s18 =	sadd.s32 @!p1 $0x19400, s18  }
0x93: {  	[tilespmem:s18], [sflag:$0x1] =	stream.indirect.gather @!p1 [hbm4b:s4+s20], $0x80, s14, s20, $0xb8;
	[tilespmem:$0x1F800] =	vst v63  }
0x94: {  	p2 =	sne.s32 s16, $0x80;
	s18 =	smul.u32 $0x5000, s17;
	_ =	swait.ge [sflag:s12], $0x1400  }
.Ltmp1:
0x95: {  	s17 =	smov.u32 s19;
	[sflag:s12] =	ssyncset.done $0x0;
	(pc) =	sbr.rel @p2 .LBB2_5-.Ltmp1, $4  }
0x96: {  	p1 =	sgt.u32 s17, $0x7C;
	s18 =	sshrl.u32 s18, $0x2;
	[sflag:s12] =	ssyncadd.s32 $0xFFFFEC00  }
0x97: {  	s19 =	sand.u32 @!p1 $0x3, s17;
	s18 =	sadd.s32 $0x19400, s18  }
0x98: {  	[spmem:s1] =	stream.indirect.scatter.add.f32 [tilespmem:s18], [sflag:$0x3], $0x80, s15, s31, $0xb8;
	[tilespmem:$0x1F800] =	vst v63  }
0x99: {  	s18 =	smul.u32 @!p1 $0x5000, s19;
	s15 =	sadd.s32 $0x80, s15;
	_ =	swait.ge [sflag:s29], $0x1400  }
0x9a: {  	[sflag:s29] =	ssyncset.done $0x0;
	s14 =	sadd.s32 $0x28, s14;
	s17 =	sadd.s32 $0xFFFFFFFD, s17  }
0x9b: {  	s16 =	sshrl.u32 @!p1 s18, $0x2;
	[sflag:s29] =	ssyncadd.s32 $0xFFFFEC00;
	s17 =	sand.u32 $0x3, s17  }
0x9c: {  	s18 =	simm.s32 @!p1 $0x28;
	s16 =	sadd.s32 @!p1 $0x19400, s16;
	s20 =	smul.u32 $0x5000, s17  }
0x9d: {  	[tilespmem:s16], [sflag:$0x1] =	stream.indirect.gather @!p1 [hbm4b:s4+s18], $0x80, s14, s18, $0xb8;
	[tilespmem:$0x1F800] =	vst v63  }
0x9e: {  	_ =	swait.ge [sflag:s12], $0x1400  }
0x9f: {  	s14 =	sshrl.u32 s20, $0x2;
	[sflag:s12] =	ssyncset.done $0x0  }
.Ltmp2:
0xa0: {  	s14 =	sadd.s32 $0x19400, s14;
	[sflag:s12] =	ssyncadd.s32 $0xFFFFEC00;
	(pc) =	sbr.rel @p0 .LBB2_4-.Ltmp2, $4  }
0xa1: {  	[spmem:s1] =	stream.indirect.scatter.add.f32 [tilespmem:s14], [sflag:$0x3], $0x80, s15, s31, $0xb8;
	[tilespmem:$0x1F800] =	vst v63  }
0xa2: {  	_ =	swait.ge [sflag:s29], $0x1400  }
0xa3: {  	[sflag:s29] =	ssyncset.done $0x0  }
0xa4: {  	p1 =	por $0x0, $0x0;
	s14 =	simm.s32 $0x1;
	[sflag:s29] =	ssyncadd.s32 $0xFFFFEC00  }
0xa5: {  	s14 =	stileid.u32  }
0xa6: {  	[bflag:$0x0] =	sbarrier.arrive $0xFFFF;
	s14 =	sshll.u32 s14, $0x6  }
0xa7: {  	s15 =	sshrl.u32 s9, $0x3;
	s16 =	rddreg [dreg:$0x3];
	s14 =	sor.u32 $0x1C03, s14  }
0xa8: {  	[hbm:s16], [sflag:s14] =	dma.local [spmem:s15], $0x2800  }
0xa9: {  	_ =	swait.ge [sflag:s29], $0x2800  }
0xaa: {  	s13 =	sadd.s32 $0x1, s13;
	s20 =	rddreg [dreg:$0x4]  }
0xab: {  	p0 =	sne.s32 s13, s20  }
.Ltmp3:
0xac: {  	_ = 	snop;
	(pc) =	sbr.rel @p0 .LBB2_1-.Ltmp3, $3  }
0xad: {  	_ =	sdelay $0x1  }
0xae: {  	[sflag:s29] =	ssyncset.done $0x0  }
0xaf: {  	[sflag:s29] =	ssyncadd.s32 $0xFFFFD800  }
0xb0: {  	_ =	sfence.sel $0x180000  }
0xb1: {  	[bflag:$0x0] =	sbarrier.arrive $0xFFFF  }
0xb2: {  	_ =	strace $0x9000004D  }
0xb3: {  	s0 =	stileid.u32;
	[bflag:$0x2] =	sbarrier.arrive $0xFFFF  }
0xb4: {  	p0 =	sne.s32 s0, $0x0;
	s0 =	rddreg [dreg:$0x2]  }
0xb5: {  	s0 =	sadd.s32 @!p0 $0x100000, s0  }
0xb6: {  	[sflag:s0] =	ssyncadd.tile.s32 @!p0 $0x1;
	_ =	shalt  }
.Lfunc_end2:
_tile_overlayer_lowered:
.L_overlay_start_2:
0xb7: {  	(tag) =	ssettag $0x2  }
0xb8: {  	s0 =	rddreg [dreg:$0x0];
	s2 =	stileid.u32  }
0xb9: {  	s1 =	rddreg [dreg:$0x1];
	p0 =	sne.s32 s2, $0x0  }
0xba: {  	s3 =	rddreg [dreg:$0x2];
	[bflag:$0x3] =	sbarrier.arrive $0xFFFF;
	s2 =	simm.s32 @!p0 $0x1C03  }
0xbb: {  	[timem:s3], [sflag:s2] =	dma.local @!p0 [hbm:s0], s1  }
0xbc: {  	s0 =	simm.s32 @!p0 $0x3  }
0xbd: {  	_ =	swait.ge @!p0 [sflag:s0], s1  }
0xbe: {  	s1 =	ssub.s32 @!p0 $0x0, s1;
	[sflag:s0] =	ssyncset.done @!p0 $0x0  }
0xbf: {  	[sflag:s0] =	ssyncadd.s32 @!p0 s1  }
0xc0: {  	[bflag:$0x3] =	sbarrier.arrive $0xFFFF  }
0xc1: {  	_ =	shalt  }

// kernel: kernel.8.cloned.1.call-start
scs
__scs_entry_jumppad:
0x0: {  	(pc) =	sbr.rel $0x88, $3  }
0x1: {  	(tag) =	ssettag $0x0;
	lr =	simm.s32 $0x1  }
0x2: {  	[smem:$0x3F92] =	sst lr;
	_ =	strace $0xD0000000  }
0x3: {  	_ = 	snop  }
0x4: {  	_ = 	snop  }
0x5: {  	_ = 	snop  }
0x6: {  	_ = 	snop  }
0x7: {  	_ = 	snop  }
__scs_overlays_trampoline_lowered:
0x8: {  	[smem:$0x3FA1] =	sst s0  }
0x9: {  	[smem:$0x3FA2] =	sst s1  }
0xa: {  	[smem:$0x3FA3] =	sst s2  }
0xb: {  	[smem:$0x3FA4] =	sst s3  }
0xc: {  	[smem:$0x3FA5] =	sst s4  }
0xd: {  	[smem:$0x3FA6] =	sst s5  }
0xe: {  	[smem:$0x3FA7] =	sst s6  }
0xf: {  	[smem:$0x3FA8] =	sst s7  }
0x10: {  	[smem:$0x3FA9] =	sst s8  }
0x11: {  	[smem:$0x3FAA] =	sst s9;
	s0 =	simm.s32 @!p0 $0x0  }
0x12: {  	s1 =	sld [smem:$0x3F90];
	s0 =	simm.s32 @p0 $0x1  }
0x13: {  	[smem:$0x3FAB] =	sst s0;
	s0 =	simm.s32 @!p1 $0x0  }
0x14: {  	s2 =	sld [smem:$0x3F8F];
	s0 =	simm.s32 @p1 $0x1  }
0x15: {  	[smem:$0x3FAC] =	sst s0;
	s0 =	simm.s32 @!p2 $0x0  }
0x16: {  	s3 =	sld [smem:$0x3FDB];
	s0 =	simm.s32 @p2 $0x1  }
0x17: {  	s4 =	simm.s32 $0x1BF5;
	[smem:$0x3FAE] =	sst s0  }
0x18: {  	s0 =	sld [smem:$0x3F91];
	_ =	swait.ge [sflag:s4], $0x0  }
0x19: {  	s7 =	sld [smem:$0x3F92]  }
0x1a: {  	s8 =	sadd.s32 $0xFFFFE003, lr  }
0x1b: {  	s9 =	sadd.s32 $0xFFFFFEF7, lr;
	s5 =	simm.s32 $0xFFFFFFFF;
	p2 =	slt.u32 s8, $0xFFFFF086  }
0x1c: {  	p1 =	slt.u32 s9, $0xF7A;
	s5 =	simm.s32 @!p2 $0x0  }
0x1d: {  	s5 =	simm.s32 @p1 $0x1;
	p0 =	seq.s32 s7, s2  }
0x1e: {  	s7 =	smul.u32 @!p0 $0xF7A, s2;
	p2 =	seq.s32 @!p0 s5, $0x0  }
0x1f: {  	s9 =	smul.u32 $0xF7A, s1;
	s8 =	simm.s32 @!p0 $0x1BF5;
	p2 =	por !p2, p0  }
0x20: {  	[sflag:s8] =	ssyncset.s32 @!p0 $0xFFFFF086;
	s6 =	sadd.s32 @!p0 s3, s7;
	s7 =	simm.s32 @!p0 $0x108  }
0x21: {  	s3 =	sadd.s32 s3, s9;
	s6 =	sadd.s32 @!p0 $0x88, s6;
	s7 =	simm.s32 @p2 $0x1082  }
0x22: {  	[simem:s7], [sflag:s8] =	dma.local @!p0 [hbm:s6], $0xF7A  }
0x23: {  	s9 =	sor.u32 $0xD0000000, s2;
	s6 =	simm.s32 $0x108;
	_ =	swait.ge @!p0 [sflag:s8], $0x0  }
0x24: {  	s3 =	sadd.s32 $0x88, s3;
	s6 =	simm.s32 @!p1 $0x1082;
	[sflag:s4] =	ssyncset.s32 $0xFFFFF086  }
0x25: {  	[simem:s6], [sflag:s4] =	dma.local [hbm:s3], $0xF7A  }
0x26: {  	[smem:$0x3F92] =	sst s1;
	(tag) =	ssettag s2;
	_ =	strace s9  }
0x27: {  	s1 =	sld [smem:$0x3FA2]  }
0x28: {  	s2 =	sld [smem:$0x3FA3]  }
0x29: {  	s4 =	sld [smem:$0x3FA5]  }
0x2a: {  	p0 =	seq.s32 s5, $0x0;
	s5 =	sld [smem:$0x3FA6]  }
0x2b: {  	s6 =	sld [smem:$0x3FA7]  }
0x2c: {  	s7 =	sld [smem:$0x3FA8]  }
0x2d: {  	s3 =	simm.s32 $0x108;
	s8 =	sld [smem:$0x3FA9]  }
0x2e: {  	s3 =	simm.s32 @!p0 $0x1082;
	s9 =	sld [smem:$0x3FAA]  }
0x2f: {  	lr =	sadd.s32 s0, s3;
	s0 =	sld [smem:$0x3FA1]  }
0x30: {  	s3 =	sld [smem:$0x3FA4]  }
0x31: {  	[smem:$0x3FAD] =	sst s10  }
0x32: {  	s10 =	sld [smem:$0x3FAB];
	_ =	sdelay $0x3  }
0x33: {  	p0 =	seq.s32 s10, $0x1;
	s10 =	sld [smem:$0x3FAD];
	_ =	sdelay $0x3  }
0x34: {  	[smem:$0x3FAD] =	sst s10  }
0x35: {  	s10 =	sld [smem:$0x3FAC];
	_ =	sdelay $0x3  }
0x36: {  	p1 =	seq.s32 s10, $0x1;
	s10 =	sld [smem:$0x3FAD];
	_ =	sdelay $0x3  }
0x37: {  	[smem:$0x3FAD] =	sst s10  }
0x38: {  	s10 =	sld [smem:$0x3FAE]  }
0x39: {  	_ = 	snop;
	(pc) =	sbr.ind lr, $3  }
0x3a: {  	_ = 	snop  }
0x3b: {  	_ = 	snop  }
0x3c: {  	p2 =	seq.s32 s10, $0x1;
	s10 =	sld [smem:$0x3FAD]  }
0x3d: {  	_ =	shalt  }
0x3e: {  	_ =	shalt  }
0x3f: {  	_ =	shalt  }
0x40: {  	_ =	shalt  }
0x41: {  	_ =	shalt  }
0x42: {  	_ =	shalt  }
0x43: {  	_ =	shalt  }
0x44: {  	_ =	shalt  }
0x45: {  	_ =	shalt  }
0x46: {  	_ =	shalt  }
0x47: {  	_ =	shalt  }
0x48: {  	_ =	shalt  }
0x49: {  	_ =	shalt  }
0x4a: {  	_ =	shalt  }
0x4b: {  	_ =	shalt  }
0x4c: {  	_ =	shalt  }
0x4d: {  	_ =	shalt  }
0x4e: {  	_ =	shalt  }
0x4f: {  	_ =	shalt  }
0x50: {  	_ =	shalt  }
0x51: {  	_ =	shalt  }
0x52: {  	_ =	shalt  }
0x53: {  	_ =	shalt  }
0x54: {  	_ =	shalt  }
0x55: {  	_ =	shalt  }
0x56: {  	_ =	shalt  }
0x57: {  	_ =	shalt  }
0x58: {  	_ =	shalt  }
0x59: {  	_ =	shalt  }
0x5a: {  	_ =	shalt  }
0x5b: {  	_ =	shalt  }
0x5c: {  	_ =	shalt  }
0x5d: {  	_ =	shalt  }
0x5e: {  	_ =	shalt  }
0x5f: {  	_ =	shalt  }
0x60: {  	_ =	shalt  }
0x61: {  	_ =	shalt  }
0x62: {  	_ =	shalt  }
0x63: {  	_ =	shalt  }
0x64: {  	_ =	shalt  }
0x65: {  	_ =	shalt  }
0x66: {  	_ =	shalt  }
0x67: {  	_ =	shalt  }
0x68: {  	_ =	shalt  }
0x69: {  	_ =	shalt  }
0x6a: {  	_ =	shalt  }
0x6b: {  	_ =	shalt  }
0x6c: {  	_ =	shalt  }
0x6d: {  	_ =	shalt  }
0x6e: {  	_ =	shalt  }
0x6f: {  	_ =	shalt  }
0x70: {  	_ =	shalt  }
0x71: {  	_ =	shalt  }
0x72: {  	_ =	shalt  }
0x73: {  	_ =	shalt  }
0x74: {  	_ =	shalt  }
0x75: {  	_ =	shalt  }
0x76: {  	_ =	shalt  }
0x77: {  	_ =	shalt  }
0x78: {  	_ =	shalt  }
0x79: {  	_ =	shalt  }
0x7a: {  	_ =	shalt  }
0x7b: {  	_ =	shalt  }
0x7c: {  	_ =	shalt  }
0x7d: {  	_ =	shalt  }
0x7e: {  	_ =	shalt  }
0x7f: {  	_ =	shalt  }
0x80: {  	_ =	shalt  }
0x81: {  	_ =	shalt  }
0x82: {  	_ =	shalt  }
0x83: {  	_ =	shalt  }
0x84: {  	_ =	shalt  }
0x85: {  	_ =	shalt  }
0x86: {  	_ =	shalt  }
0x87: {  	_ =	shalt  }
.Lfunc_end0:
.L_simem_size_0:
called_computation_lowered:
.L_overlay_start_0:
0x88: {  	s2 =	sld [smem:$0x3FD9]  }
0x89: {  	s3 =	sld [smem:$0x3FFE];
	_ =	sdelay $0x1  }
0x8a: {  	s1 =	srdreg.scid  }
0x8b: {  	s0 =	sand.u32 $0x1, s1  }
0x8c: {  	s17 =	sshll.u32 s0, $0xA;
	s2 =	sadd.s32 s3, s2  }
0x8d: {  	s2 =	sadd.s32 s2, s17  }
0x8e: {  	[smem:$0x3FB9] =	sst s2  }
0x8f: {  	_ = 	snop  }
0x90: {  	(tm) =	ssettm $0x1  }
0x91: {  	s18 =	sld [smem:$0x3FFB];
	_ =	sdelay $0x3  }
0x92: {  	_ =	strace s18  }
0x93: {  	s2 =	sld [smem:$0x3FFC];
	_ =	sdelay $0x3  }
0x94: {  	_ =	strace s2  }
0x95: {  	s2 =	sld [smem:$0x3FFD];
	_ =	sdelay $0x3  }
0x96: {  	_ =	strace s2  }
0x97: {  	_ =	strace $0x8FFFFFFF  }
0x98: {  	s19 =	sld [smem:$0x3FDB];
	_ =	sdelay $0x1  }
0x99: {  	s20 =	simm.s32 $_scs_section_size  }
0x9a: {  	s4 =	simm.s32 $_size__tile_overlayer_lowered;
	s5 =	simm.s32 $_tile_overlayer_lowered  }
0x9b: {  	s6 =	simm.s32 $0x1BFF;
	s21 =	sshll.u32 s5, $0x1;
	s3 =	sadd.s32 s20, s19  }
0x9c: {  	s22 =	simm.s32 $0x0;
	s4 =	sshll.u32 s4, $0x1;
	s5 =	sadd.s32 s21, s3  }
0x9d: {  	[timem:s22], [sflag:s6] =	dma.local [hbm:s5], s4  }
0x9e: {  	_ =	swait.ge [sflag:s6], s4  }
0x9f: {  	s4 =	ssub.s32 $0x0, s4;
	[sflag:s6] =	ssyncset.done $0x0  }
0xa0: {  	[sflag:s6] =	ssyncadd.s32 s4;
	_ =	sdelay $0x1  }
0xa1: {  	s23 =	simm.s32 $0x1B8B  }
0xa2: {  	_ =	swait.ge [sflag:s23], $0x1  }
0xa3: {  	[sflag:s23] =	ssyncset.done $0x0  }
0xa4: {  	[sflag:s23] =	ssyncadd.s32 $0xFFFFFFFF  }
0xa5: {  	s4 =	sld [smem:$0x0]  }
0xa6: {  	s5 =	sand.u32 $0xFFFFFFFE, s1  }
0xa7: {  	p0 =	sne.s32 s1, s5  }
0xa8: {  	s5 =	sshll.u32 @p0 s5, $0xE  }
0xa9: {  	s5 =	sadd.s32 @p0 $0x11B8D, s5;
	s6 =	sshll.u32 @p0 s4, $0x11  }
0xaa: {  	s5 =	sor.u32 @p0 s6, s5  }
0xab: {  	[sflag:s5] =	ssyncadd.remote.s32 @p0 $0x1;
	_ =	sdelay $0x1  }
0xac: {  	s5 =	simm.s32 @p0 $0x1B8D  }
0xad: {  	_ =	swait.eq @p0 [sflag:s5], $0x1  }
0xae: {  	[sflag:s5] =	ssyncadd.s32 @p0 $0xFFFFFFFF  }
0xaf: {  	s6 =	sshll.u32 @!p0 s1, $0xE  }
0xb0: {  	s6 =	sor.u32 @!p0 $0x4000, s6;
	s5 =	simm.s32 @!p0 $0x1B8D  }
0xb1: {  	s4 =	sshll.u32 @!p0 s4, $0x11;
	s6 =	sadd.s32 @!p0 $0x11B8D, s6;
	_ =	swait.eq @!p0 [sflag:s5], $0x1  }
0xb2: {  	s4 =	sor.u32 @!p0 s4, s6;
	[sflag:s5] =	ssyncadd.s32 @!p0 $0xFFFFFFFF  }
0xb3: {  	s25 =	simm.s32 $0x1B8E;
	s24 =	sld [smem:$0x3FFE];
	[sflag:s4] =	ssyncadd.remote.s32 @!p0 $0x1  }
0xb4: {  	s26 =	simm.s32 $execute0_lowered;
	[smem:$0x3FD2] =	sst s25  }
0xb5: {  	s5 =	sshll.u32 s26, $0x1;
	_ =	strace $0x80000049;
	[dreg:$0x1] =	wrdreg $0xFFFFFFFF  }
0xb6: {  	s28 =	simm.s32 $_size_execute0_lowered;
	s3 =	sadd.s32 s3, s5;
	[dreg:$0x0] =	wrdreg $0x0  }
0xb7: {  	s5 =	sshll.u32 s28, $0x1;
	[dreg:$0x2] =	wrdreg s3  }
0xb8: {  	[dreg:$0x3] =	wrdreg s5  }
0xb9: {  	[dreg:$0x4] =	wrdreg $0xC0  }
0xba: {  	_ =	task [dreg:s22], $0x5FFFF  }
0xbb: {  	[dreg:$0x1] =	wrdreg $0xFFFFFFFF  }
0xbc: {  	[dreg:$0x0] =	wrdreg $0x60  }
0xbd: {  	[dreg:$0x2] =	wrdreg s24  }
0xbe: {  	[dreg:$0x3] =	wrdreg $0x9  }
0xbf: {  	_ =	task.clear_ibuf [dreg:s22], $0x4FFFF;
	_ =	strace $0x90000049  }
0xc0: {  	s29 =	simm.s32 $0x9;
	_ =	strace $0x8000004B  }
0xc1: {  	_ =	swait.ge [sflag:s29], $0x1  }
0xc2: {  	[sflag:s29] =	ssyncadd.s32 $0xFFFFFFFF  }
0xc3: {  	_ =	strace $0x9000004B  }
0xc4: {  	_ =	sfence  }
0xc5: {  	s30 =	sld [smem:$0x0];
	_ =	sdelay $0x2  }
0xc6: {  	s31 =	sshll.u32 s1, $0xD;
	s1 =	sshrl.u32 s1, $0x2  }
0xc7: {  	s4 =	sand.u32 $0x4000, s31;
	s1 =	sadd.s32 s1, s30  }
0xc8: {  	s0 =	sor.u32 s4, s0;
	s1 =	sshll.u32 s1, $0x11  }
0xc9: {  	s0 =	sor.u32 s1, s0  }
0xca: {  	s0 =	sadd.s32 $0x8F2B, s0  }
0xcb: {  	[sflag:s0] =	ssyncadd.remote.s32 $0x1  }
0xcc: {  	_ =	sfence.sel $0xFFFF  }
0xcd: {  	[dreg:$0x0] =	wrdreg $0xFFFFFFFF;
	(pc) =	sbr.abs _section_cstart, $3  }
0xce: {  	[dreg:$0x1] =	wrdreg $0xFFFFFFFF  }
0xcf: {  	_ =	task.clear_ibuf [dreg:s22], $0x2FFFF;
	_ =	strace $0x9FFFFFFF  }
0xd0: {  	(tm) =	ssettm $0x7FFFFFFF  }
0xd1: {  	_ =	shalt  }
tec
execute0_lowered:
.L_overlay_start_1:
0x0: {  	(tag) =	ssettag $0x1  }
0x1: {  	s0 =	srdreg.scid;
	s4 =	rddreg [dreg:$0x0]  }
0x2: {  	s2 =	simm.s32 $0x0;
	s9 =	simm.s32 $0x1;
	s10 =	simm.s32 $0x7780  }
0x3: {  	s11 =	simm.s32 $0x2800;
	s12 =	simm.s32 $0x80;
	s3 =	sand.u32 $0x1, s0  }
0x4: {  	s13 =	simm.s32 $0x100;
	s0 =	stileid.u32;
	s1 =	sshll.u32 s3, $0x4  }
0x5: {  	s14 =	simm.s32 $0x0;
	s3 =	ssub.s32 $0x2, s3;
	s5 =	sor.u32 s0, s1  }
0x6: {  	[smem:$0x7FF] =	sst s2;
	s7 =	sshrl.u32 s3, $0x1;
	s6 =	smul.u32 $0x4E2, s5  }
0x7: {  	s1 =	rddreg [dreg:$0x1];
	s5 =	smul.u32 $0xA00, s5;
	s7 =	ssub.s32 s3, s7  }
0x8: {  	_ =	strace $0x8000004A;
	s7 =	smax.u32 s7, $0x1;
	s6 =	sadd.s32 s6, s4  }
0x9: {  	s8 =	sadd.s32 s5, s4;
	s3 =	sadd.s32 $0x3400, s6;
	s4 =	sadd.s32 $0xD200, s6  }
0xa: {  	v0 =	vimm.f32 $0.0e+00;
	v1 =	vimm.f32 $1.000000000e+00;
	s5 =	sadd.s32 $0xAE200, s8;
	s6 =	sadd.s32 $0xAE210, s8;
	s8 =	simm.s32 $0x5000  }
.LBB2_1:
0xb: {  	s15 =	simm.s32 $0x40;
	s16 =	simm.s32 $0x0  }
.LBB2_2:
0xc: {  	p0 =	sne.s32 s15, $0x9FC0;
	[tilespmem:s16+$0x0] =	vst v0;
	s17 =	smov.u32 s15;
	s15 =	sadd.s32 $0x40, s15  }
.Ltmp0:
0xd: {  	[tilespmem:s16+$0x2800] =	vst v0;
	(pc) =	sbr.rel @p0 .LBB2_2-.Ltmp0, $2  }
0xe: {  	_ =	sdelay $0x2  }
0xf: {  	s16 =	sshra.s32 s17, $0x2  }
0x10: {  	[tilespmem:s16+$0x0] =	vst v0  }
0x11: {  	[tilespmem:s16+$0x2800] =	vst v0;
	s15 =	simm.s32 $0x0  }
0x12: {  	[tilespmem:s8], [sflag:$0x1] =	stream.linear.gather [hbm4b:s3+s15], $0x2710, $0x38;
	[tilespmem:$0x9F00] =	vst v63  }
0x13: {  	_ =	swait.ge [sflag:s9], $0x2710  }
0x14: {  	[sflag:s9] =	ssyncset.done $0x0  }
0x15: {  	[sflag:s9] =	ssyncadd.s32 $0xFFFFD8F0  }
0x16: {  	[tilespmem:s10], [sflag:$0x1] =	stream.linear.gather [hbm4b:s4+s15], $0x2710, $0x38;
	[tilespmem:$0x9F00] =	vst v63  }
0x17: {  	_ =	swait.ge [sflag:s9], $0x2710  }
0x18: {  	[sflag:s9] =	ssyncset.done $0x0  }
0x19: {  	s16 =	simm.s32 $0x0;
	s15 =	simm.s32 $0x40;
	[sflag:s9] =	ssyncadd.s32 $0xFFFFD8F0  }
.LBB2_4:
0x1a: {  	p0 =	sne.s32 s15, $0x9C00;
	v2 =	vld [tilespmem:s16+$0x5000];
	_ =	sdelay $0x7  }
0x1b: {  	[tilespmem:v2+s2+$0x0] =	vst.idx.add.f32.msk $0xffff, v1  }
0x1c: {  	v2 =	vld [tilespmem:s16+$0x7780];
	_ =	sdelay $0x3  }
.Ltmp1:
0x1d: {  	(pc) =	sbr.rel @p0 .LBB2_4-.Ltmp1, $2  }
0x1e: {  	_ =	sdelay $0x2  }
0x1f: {  	s16 =	sshra.s32 s15, $0x2;
	s15 =	sadd.s32 $0x40, s15;
	[tilespmem:v2+s11+$0x0] =	vst.idx.add.f32.msk $0xffff, v1  }
0x20: {  	v2 =	vld [tilespmem:s16+$0x5000];
	_ =	sdelay $0x7  }
0x21: {  	[tilespmem:v2+s2+$0x0] =	vst.idx.add.f32.msk $0xffff, v1  }
0x22: {  	v2 =	vld [tilespmem:s16+$0x7780];
	_ =	sdelay $0x7  }
0x23: {  	[tilespmem:v2+s11+$0x0] =	vst.idx.add.f32.msk $0xffff, v1  }
0x24: {  	[hbm4b:s5+s12] =	stream.strided.scatter [tilespmem:s2], [sflag:$0x1], $0x2800, s13, s12, $0x38;
	[tilespmem:$0x9F00] =	vst v63  }
0x25: {  	s14 =	sadd.s32 $0x1, s14;
	_ =	swait.ge [sflag:s9], $0x2800  }
0x26: {  	p0 =	sne.s32 s14, s7;
	[sflag:s9] =	ssyncset.done $0x0  }
.Ltmp2:
0x27: {  	[sflag:s9] =	ssyncadd.s32 $0xFFFFD800;
	(pc) =	sbr.rel @p0 .LBB2_1-.Ltmp2, $4  }
0x28: {  	[hbm4b:s6+s12] =	stream.strided.scatter [tilespmem:s11], [sflag:$0x1], $0x2800, s13, s12, $0x38;
	[tilespmem:$0x9F00] =	vst v63  }
0x29: {  	_ =	swait.ge [sflag:s9], $0x2800  }
0x2a: {  	[sflag:s9] =	ssyncset.done $0x0  }
0x2b: {  	[sflag:s9] =	ssyncadd.s32 $0xFFFFD800  }
0x2c: {  	_ =	sfence.sel $0x180000  }
0x2d: {  	[bflag:$0x0] =	sbarrier.arrive $0xFFFF  }
0x2e: {  	p0 =	sne.s32 s0, $0x0;
	_ =	strace $0x9000004A  }
0x2f: {  	s0 =	sadd.s32 @!p0 $0x100000, s1;
	[bflag:$0x2] =	sbarrier.arrive $0xFFFF  }
0x30: {  	[sflag:s0] =	ssyncadd.tile.s32 @!p0 $0x1;
	_ =	shalt  }
.Lfunc_end2:
_tile_overlayer_lowered:
.L_overlay_start_2:
0x31: {  	(tag) =	ssettag $0x2  }
0x32: {  	s0 =	rddreg [dreg:$0x0];
	s2 =	stileid.u32  }
0x33: {  	s1 =	rddreg [dreg:$0x1];
	p0 =	sne.s32 s2, $0x0  }
0x34: {  	s3 =	rddreg [dreg:$0x2];
	[bflag:$0x3] =	sbarrier.arrive $0xFFFF;
	s2 =	simm.s32 @!p0 $0x1C01  }
0x35: {  	[timem:s3], [sflag:s2] =	dma.local @!p0 [hbm:s0], s1  }
0x36: {  	s0 =	simm.s32 @!p0 $0x1  }
0x37: {  	_ =	swait.ge @!p0 [sflag:s0], s1  }
0x38: {  	s1 =	ssub.s32 @!p0 $0x0, s1;
	[sflag:s0] =	ssyncset.done @!p0 $0x0  }
0x39: {  	[sflag:s0] =	ssyncadd.s32 @!p0 s1  }
0x3a: {  	[bflag:$0x3] =	sbarrier.arrive $0xFFFF  }
0x3b: {  	_ =	shalt  }

</sc_bundles>
